<compile_context>
chip_gen: v7x
topology: tpu7x:2x2x1
jax: 0.10.2.dev20260603
libtpu: 0.0.44.dev20260713+nightly
codegen_flags: <defaults>
</compile_context>

<pallas_src>
import functools

import jax
import jax.numpy as jnp
from jax import lax
from jax.experimental import pallas as pl
from jax.experimental.pallas import tpu as pltpu
from jax.experimental.pallas import tpu_sc as plsc

N = 2097152
R, C = 16384, 128
NC, NS = 2, 16
NW = NC * NS
RPW = R // NW
CR = 128
NCHUNK = RPW // CR

_mesh = plsc.VectorSubcoreMesh(
    core_axis_name="c", subcore_axis_name="s", num_cores=NC, num_subcores=NS)


@functools.partial(
    pl.kernel,
    out_type=jax.ShapeDtypeStruct((R, C), jnp.float32),
    mesh=_mesh,
    scratch_types=[
        pltpu.VMEM((CR, C), jnp.float32),
        pltpu.VMEM((CR, C), jnp.float32),
        pltpu.VMEM((CR, C), jnp.float32),
        pltpu.VMEM((CR, C), jnp.float32),
        pltpu.SemaphoreType.DMA,
        pltpu.SemaphoreType.DMA,
        pltpu.SemaphoreType.DMA,
        pltpu.SemaphoreType.DMA,
    ],
    compiler_params=pltpu.CompilerParams(needs_layout_passes=False),
)
def _vq_vals(x_hbm, vals_hbm, x_v0, x_v1, o_v0, o_v1,
             si0, si1, so0, so1):
    wid = lax.axis_index("s") * NC + lax.axis_index("c")
    rbase = wid * RPW
    x_bufs, o_bufs = (x_v0, x_v1), (o_v0, o_v1)
    si, so = (si0, si1), (so0, so1)

    def row_slice(ci):
        return pl.ds(pl.multiple_of(rbase + ci * CR, CR), CR)

    def start_in(ci):
        return pltpu.async_copy(
            x_hbm.at[row_slice(ci), :], x_bufs[ci % 2], si[ci % 2])

    in_copies = {0: start_in(0)}
    out_copies = {}
    for ci in range(NCHUNK):
        if ci + 1 < NCHUNK:
            in_copies[ci + 1] = start_in(ci + 1)
        in_copies[ci].wait()
        if ci >= 2:
            out_copies[ci - 2].wait()
        x_v, vals_v = x_bufs[ci % 2], o_bufs[ci % 2]

        @plsc.parallel_loop(0, CR)
        def row_body(r):
            for c in range(C // 16):
                xv = x_v[r, pl.ds(c * 16, 16)]
                u = jnp.clip(8.0 - xv, 0.0, 15.0).astype(jnp.int32)
                vals_v[r, pl.ds(c * 16, 16)] = 7.5 - u.astype(jnp.float32)

        out_copies[ci] = pltpu.async_copy(
            vals_v, vals_hbm.at[row_slice(ci), :], so[ci % 2])
    out_copies[NCHUNK - 2].wait()
    out_copies[NCHUNK - 1].wait()


_BR = 2048
_G = R // _BR


def _idx_body(x_hbm, idx_ref, x_v, sems):
    i = pl.program_id(0)

    @pl.when(i == 0)
    def _prime():
        pltpu.make_async_copy(
            x_hbm.at[pl.ds(0, _BR), :], x_v.at[0], sems.at[0]).start()

    @pl.when(i + 1 < _G)
    def _next():
        pltpu.make_async_copy(
            x_hbm.at[pl.ds((i + 1) * _BR, _BR), :],
            x_v.at[(i + 1) % 2], sems.at[(i + 1) % 2]).start()

    pltpu.make_async_copy(
        x_hbm.at[pl.ds(i * _BR, _BR), :], x_v.at[i % 2], sems.at[i % 2]).wait()
    u = jnp.clip(8.0 - x_v[i % 2], 0.0, 15.0).astype(jnp.int32)
    idx_ref[...] = (15 - u).astype(jnp.uint8)


_vq_idx = pl.pallas_call(
    _idx_body,
    grid=(_G,),
    in_specs=[pl.BlockSpec(memory_space=pl.ANY)],
    out_specs=pl.BlockSpec((_BR, C), lambda i: (i, 0)),
    out_shape=jax.ShapeDtypeStruct((R, C), jnp.uint8),
    scratch_shapes=[
        pltpu.VMEM((2, _BR, C), jnp.float32),
        pltpu.SemaphoreType.DMA((2,)),
    ],
    compiler_params=pltpu.CompilerParams(
        dimension_semantics=("arbitrary",)),
)


def kernel(X, grid, grid_norm):
    x2d = X.reshape(R, C)
    vals2d = _vq_vals(x2d)
    idx2d = _vq_idx(pltpu.with_memory_space_constraint(x2d, pltpu.MemorySpace.HBM))
    return (vals2d.reshape(N, 1), idx2d.reshape(N))

# --- scband reference (transcript-rebuilt; emitter-appended) ---
"""Pipeline reference for scband-hi4-b1-c-codebook-26912265077059 (READ-ONLY COPY).

The authoritative reference and input builder live on the scoring server;
editing this copy changes nothing except your own understanding.
"""

import jax, jax.numpy as jnp
import numpy as np


def setup_inputs(seed: int = 0) -> dict:
    key = jax.random.key(seed)
    X = jax.random.normal(key, (2097152, 1), dtype=jnp.float32)
    # buffers from the module (__init__): grid = get_grid(), grid_norm = diag(grid @ grid.T)
    grid = (jnp.arange(-8, 8, dtype=jnp.float32) + 0.5).reshape(16, 1)
    grid_norm = jnp.sum(grid * grid, axis=-1)
    return {"X": X, "grid": grid, "grid_norm": grid_norm}


def reference(X, grid, grid_norm):
    # quantize(X, return_idx=True): round(X, grid, grid_norm)
    # Xqidx = (2 * X @ grid.T - grid_norm).argmax(-1)
    assert X.shape[-1] == 1  # codesz == 1
    scores = 2.0 * (X @ grid.T) - grid_norm  # [N, 16]
    Xqidx = jnp.argmax(scores, axis=-1)      # [N]
    vals = jnp.take(grid, Xqidx, axis=0)     # [N, 1]
    idx = Xqidx.astype(jnp.uint8)            # idx_dtype = uint8
    return (vals, idx)

if __name__ == "__main__":
    import jax
    _d = setup_inputs()
    print(jax.jit(kernel)(*tuple(_d.values())))

</pallas_src>

<mosaic_0001>
#map = affine_map<(d0, d1) -> (0, 0)>
module attributes {stable_mosaic.version = 14 : i64} {
  func.func @_vq_vals(%arg0: i32, %arg1: i32, %arg2: memref<16384x128xf32, #tpu.memory_space<hbm>>, %arg3: memref<16384x128xf32, #tpu.memory_space<hbm>>, %arg4: memref<128x128xf32, #tpu.memory_space<vmem>>, %arg5: memref<128x128xf32, #tpu.memory_space<vmem>>, %arg6: memref<128x128xf32, #tpu.memory_space<vmem>>, %arg7: memref<128x128xf32, #tpu.memory_space<vmem>>, %arg8: memref<!tpu.dma_semaphore, #tpu.memory_space<semaphore_mem>>, %arg9: memref<!tpu.dma_semaphore, #tpu.memory_space<semaphore_mem>>, %arg10: memref<!tpu.dma_semaphore, #tpu.memory_space<semaphore_mem>>, %arg11: memref<!tpu.dma_semaphore, #tpu.memory_space<semaphore_mem>>) attributes {dimension_semantics = [#tpu.dimension_semantics<core_parallel>, #tpu.dimension_semantics<subcore_parallel>], iteration_bounds = array<i64: 2, 16>, scalar_prefetch = 0 : i64, scratch_operands = 8 : i64, tpu.core_type = #tpu.core_type<sc_vector_subcore>, window_params = [{transform_indices = #map}, {transform_indices = #map}]} {
    %mul3A = arith.constant 2 : i32
    %mul3A_0 = arith.muli %arg1, %mul3A : i32
    %add3A = arith.addi %mul3A_0, %arg0 : i32
    %mul3A_1 = arith.constant 512 : i32
    %mul3A_2 = arith.muli %add3A, %mul3A_1 : i32
    %add3A_3 = arith.constant 0 : i32
    %add3A_4 = arith.addi %mul3A_2, %add3A_3 : i32
    %multiple_of3A = tpu.assume_multiple %add3A_4, 128 : i32
    %dma_start3A = arith.constant 0 : i32
    %dma_start3A_5 = tpu.memref_slice %arg2[%multiple_of3A, %dma_start3A] : memref<16384x128xf32, #tpu.memory_space<hbm>> -> memref<128x128xf32, #tpu.memory_space<hbm>>
    %dma_start3A_6 = arith.constant 0 : i32
    %dma_start3A_7 = tpu.memref_slice %arg2[%multiple_of3A, %dma_start3A_6] : memref<16384x128xf32, #tpu.memory_space<hbm>> -> memref<128x128xf32, #tpu.memory_space<hbm>>
    tpu.enqueue_dma source(%dma_start3A_7 : memref<128x128xf32, #tpu.memory_space<hbm>>) target(%arg4 : memref<128x128xf32, #tpu.memory_space<vmem>>) target_semaphore(%arg8 : memref<!tpu.dma_semaphore, #tpu.memory_space<semaphore_mem>>)
    %add3A_8 = arith.constant 128 : i32
    %add3A_9 = arith.addi %mul3A_2, %add3A_8 : i32
    %multiple_of3A_10 = tpu.assume_multiple %add3A_9, 128 : i32
    %dma_start3A_11 = arith.constant 0 : i32
    %dma_start3A_12 = tpu.memref_slice %arg2[%multiple_of3A_10, %dma_start3A_11] : memref<16384x128xf32, #tpu.memory_space<hbm>> -> memref<128x128xf32, #tpu.memory_space<hbm>>
    %dma_start3A_13 = arith.constant 0 : i32
    %dma_start3A_14 = tpu.memref_slice %arg2[%multiple_of3A_10, %dma_start3A_13] : memref<16384x128xf32, #tpu.memory_space<hbm>> -> memref<128x128xf32, #tpu.memory_space<hbm>>
    tpu.enqueue_dma source(%dma_start3A_14 : memref<128x128xf32, #tpu.memory_space<hbm>>) target(%arg5 : memref<128x128xf32, #tpu.memory_space<vmem>>) target_semaphore(%arg9 : memref<!tpu.dma_semaphore, #tpu.memory_space<semaphore_mem>>)
    %dma_wait3A = arith.constant 0 : i32
    %dma_wait3A_15 = tpu.memref_slice %arg2[%multiple_of3A, %dma_wait3A] : memref<16384x128xf32, #tpu.memory_space<hbm>> -> memref<128x128xf32, #tpu.memory_space<hbm>>
    %dma_wait3A_16 = arith.constant 0 : i32
    %dma_wait3A_17 = tpu.memref_slice %arg2[%multiple_of3A, %dma_wait3A_16] : memref<16384x128xf32, #tpu.memory_space<hbm>> -> memref<128x128xf32, #tpu.memory_space<hbm>>
    tpu.wait_dma2 semaphore(%arg8 : memref<!tpu.dma_semaphore, #tpu.memory_space<semaphore_mem>>) src(%dma_wait3A_17 : memref<128x128xf32, #tpu.memory_space<hbm>>) dst(%arg4 : memref<128x128xf32, #tpu.memory_space<vmem>>)
    %parallel_loop3A = arith.constant 0 : i32
    %parallel_loop3A_18 = arith.constant 128 : i32
    %parallel_loop3A_19 = arith.constant 1 : i32
    scf.for %parallel_loop3A_99 = %parallel_loop3A to %parallel_loop3A_18 step %parallel_loop3A_19  : i32 {
      %parallel_loop3A_100 = arith.index_cast %parallel_loop3A_99 : i32 to index
      %parallel_loop3A_101 = arith.constant 0 : index
      %parallel_loop3A_102 = tpu.vector_load %arg4[%parallel_loop3A_100, %parallel_loop3A_101] {strides = array<i32>} : memref<128x128xf32, #tpu.memory_space<vmem>>, vector<16xf32>,
      %parallel_loop3A_103 = arith.constant 8.000000e+00 : f32
      %parallel_loop3A_104 = vector.broadcast %parallel_loop3A_103 : f32 to vector<16xf32>
      %parallel_loop3A_105 = arith.subf %parallel_loop3A_104, %parallel_loop3A_102 : vector<16xf32>
      %parallel_loop3A_106 = arith.constant 0.000000e+00 : f32
      %parallel_loop3A_107 = arith.constant 1.500000e+01 : f32
      %parallel_loop3A_108 = vector.broadcast %parallel_loop3A_106 : f32 to vector<16xf32>
      %parallel_loop3A_109 = arith.maximumf %parallel_loop3A_108, %parallel_loop3A_105 : vector<16xf32>
      %parallel_loop3A_110 = vector.broadcast %parallel_loop3A_107 : f32 to vector<16xf32>
      %parallel_loop3A_111 = arith.minimumf %parallel_loop3A_110, %parallel_loop3A_109 : vector<16xf32>
      %parallel_loop3A_112 = arith.fptosi %parallel_loop3A_111 : vector<16xf32> to vector<16xi32>
      %parallel_loop3A_113 = arith.sitofp %parallel_loop3A_112 : vector<16xi32> to vector<16xf32>
      %parallel_loop3A_114 = arith.constant 7.500000e+00 : f32
      %parallel_loop3A_115 = vector.broadcast %parallel_loop3A_114 : f32 to vector<16xf32>
      %parallel_loop3A_116 = arith.subf %parallel_loop3A_115, %parallel_loop3A_113 : vector<16xf32>
      %parallel_loop3A_117 = arith.index_cast %parallel_loop3A_99 : i32 to index
      %parallel_loop3A_118 = arith.constant 0 : index
      %parallel_loop3A_119 = tpu.vector_load %arg6[%parallel_loop3A_117, %parallel_loop3A_118] {strides = array<i32>} : memref<128x128xf32, #tpu.memory_space<vmem>>, vector<16xf32>,
      tpu.vector_store %arg6[%parallel_loop3A_117, %parallel_loop3A_118], %parallel_loop3A_116 {strides = array<i32>} : memref<128x128xf32, #tpu.memory_space<vmem>>, vector<16xf32>,
      %parallel_loop3A_120 = arith.index_cast %parallel_loop3A_99 : i32 to index
      %parallel_loop3A_121 = arith.constant 16 : index
      %parallel_loop3A_122 = tpu.vector_load %arg4[%parallel_loop3A_120, %parallel_loop3A_121] {strides = array<i32>} : memref<128x128xf32, #tpu.memory_space<vmem>>, vector<16xf32>,
      %parallel_loop3A_123 = arith.constant 8.000000e+00 : f32
      %parallel_loop3A_124 = vector.broadcast %parallel_loop3A_123 : f32 to vector<16xf32>
      %parallel_loop3A_125 = arith.subf %parallel_loop3A_124, %parallel_loop3A_122 : vector<16xf32>
      %parallel_loop3A_126 = arith.constant 0.000000e+00 : f32
      %parallel_loop3A_127 = arith.constant 1.500000e+01 : f32
      %parallel_loop3A_128 = vector.broadcast %parallel_loop3A_126 : f32 to vector<16xf32>
      %parallel_loop3A_129 = arith.maximumf %parallel_loop3A_128, %parallel_loop3A_125 : vector<16xf32>
      %parallel_loop3A_130 = vector.broadcast %parallel_loop3A_127 : f32 to vector<16xf32>
      %parallel_loop3A_131 = arith.minimumf %parallel_loop3A_130, %parallel_loop3A_129 : vector<16xf32>
      %parallel_loop3A_132 = arith.fptosi %parallel_loop3A_131 : vector<16xf32> to vector<16xi32>
      %parallel_loop3A_133 = arith.sitofp %parallel_loop3A_132 : vector<16xi32> to vector<16xf32>
      %parallel_loop3A_134 = arith.constant 7.500000e+00 : f32
      %parallel_loop3A_135 = vector.broadcast %parallel_loop3A_134 : f32 to vector<16xf32>
      %parallel_loop3A_136 = arith.subf %parallel_loop3A_135, %parallel_loop3A_133 : vector<16xf32>
      %parallel_loop3A_137 = arith.index_cast %parallel_loop3A_99 : i32 to index
      %parallel_loop3A_138 = arith.constant 16 : index
      %parallel_loop3A_139 = tpu.vector_load %arg6[%parallel_loop3A_137, %parallel_loop3A_138] {strides = array<i32>} : memref<128x128xf32, #tpu.memory_space<vmem>>, vector<16xf32>,
      tpu.vector_store %arg6[%parallel_loop3A_137, %parallel_loop3A_138], %parallel_loop3A_136 {strides = array<i32>} : memref<128x128xf32, #tpu.memory_space<vmem>>, vector<16xf32>,
      %parallel_loop3A_140 = arith.index_cast %parallel_loop3A_99 : i32 to index
      %parallel_loop3A_141 = arith.constant 32 : index
      %parallel_loop3A_142 = tpu.vector_load %arg4[%parallel_loop3A_140, %parallel_loop3A_141] {strides = array<i32>} : memref<128x128xf32, #tpu.memory_space<vmem>>, vector<16xf32>,
      %parallel_loop3A_143 = arith.constant 8.000000e+00 : f32
      %parallel_loop3A_144 = vector.broadcast %parallel_loop3A_143 : f32 to vector<16xf32>
      %parallel_loop3A_145 = arith.subf %parallel_loop3A_144, %parallel_loop3A_142 : vector<16xf32>
      %parallel_loop3A_146 = arith.constant 0.000000e+00 : f32
      %parallel_loop3A_147 = arith.constant 1.500000e+01 : f32
      %parallel_loop3A_148 = vector.broadcast %parallel_loop3A_146 : f32 to vector<16xf32>
      %parallel_loop3A_149 = arith.maximumf %parallel_loop3A_148, %parallel_loop3A_145 : vector<16xf32>
      %parallel_loop3A_150 = vector.broadcast %parallel_loop3A_147 : f32 to vector<16xf32>
      %parallel_loop3A_151 = arith.minimumf %parallel_loop3A_150, %parallel_loop3A_149 : vector<16xf32>
      %parallel_loop3A_152 = arith.fptosi %parallel_loop3A_151 : vector<16xf32> to vector<16xi32>
      %parallel_loop3A_153 = arith.sitofp %parallel_loop3A_152 : vector<16xi32> to vector<16xf32>
      %parallel_loop3A_154 = arith.constant 7.500000e+00 : f32
      %parallel_loop3A_155 = vector.broadcast %parallel_loop3A_154 : f32 to vector<16xf32>
      %parallel_loop3A_156 = arith.subf %parallel_loop3A_155, %parallel_loop3A_153 : vector<16xf32>
      %parallel_loop3A_157 = arith.index_cast %parallel_loop3A_99 : i32 to index
      %parallel_loop3A_158 = arith.constant 32 : index
      %parallel_loop3A_159 = tpu.vector_load %arg6[%parallel_loop3A_157, %parallel_loop3A_158] {strides = array<i32>} : memref<128x128xf32, #tpu.memory_space<vmem>>, vector<16xf32>,
      tpu.vector_store %arg6[%parallel_loop3A_157, %parallel_loop3A_158], %parallel_loop3A_156 {strides = array<i32>} : memref<128x128xf32, #tpu.memory_space<vmem>>, vector<16xf32>,
      %parallel_loop3A_160 = arith.index_cast %parallel_loop3A_99 : i32 to index
      %parallel_loop3A_161 = arith.constant 48 : index
      %parallel_loop3A_162 = tpu.vector_load %arg4[%parallel_loop3A_160, %parallel_loop3A_161] {strides = array<i32>} : memref<128x128xf32, #tpu.memory_space<vmem>>, vector<16xf32>,
      %parallel_loop3A_163 = arith.constant 8.000000e+00 : f32
      %parallel_loop3A_164 = vector.broadcast %parallel_loop3A_163 : f32 to vector<16xf32>
      %parallel_loop3A_165 = arith.subf %parallel_loop3A_164, %parallel_loop3A_162 : vector<16xf32>
      %parallel_loop3A_166 = arith.constant 0.000000e+00 : f32
      %parallel_loop3A_167 = arith.constant 1.500000e+01 : f32
      %parallel_loop3A_168 = vector.broadcast %parallel_loop3A_166 : f32 to vector<16xf32>
      %parallel_loop3A_169 = arith.maximumf %parallel_loop3A_168, %parallel_loop3A_165 : vector<16xf32>
      %parallel_loop3A_170 = vector.broadcast %parallel_loop3A_167 : f32 to vector<16xf32>
      %parallel_loop3A_171 = arith.minimumf %parallel_loop3A_170, %parallel_loop3A_169 : vector<16xf32>
      %parallel_loop3A_172 = arith.fptosi %parallel_loop3A_171 : vector<16xf32> to vector<16xi32>
      %parallel_loop3A_173 = arith.sitofp %parallel_loop3A_172 : vector<16xi32> to vector<16xf32>
      %parallel_loop3A_174 = arith.constant 7.500000e+00 : f32
      %parallel_loop3A_175 = vector.broadcast %parallel_loop3A_174 : f32 to vector<16xf32>
      %parallel_loop3A_176 = arith.subf %parallel_loop3A_175, %parallel_loop3A_173 : vector<16xf32>
      %parallel_loop3A_177 = arith.index_cast %parallel_loop3A_99 : i32 to index
      %parallel_loop3A_178 = arith.constant 48 : index
      %parallel_loop3A_179 = tpu.vector_load %arg6[%parallel_loop3A_177, %parallel_loop3A_178] {strides = array<i32>} : memref<128x128xf32, #tpu.memory_space<vmem>>, vector<16xf32>,
      tpu.vector_store %arg6[%parallel_loop3A_177, %parallel_loop3A_178], %parallel_loop3A_176 {strides = array<i32>} : memref<128x128xf32, #tpu.memory_space<vmem>>, vector<16xf32>,
      %parallel_loop3A_180 = arith.index_cast %parallel_loop3A_99 : i32 to index
      %parallel_loop3A_181 = arith.constant 64 : index
      %parallel_loop3A_182 = tpu.vector_load %arg4[%parallel_loop3A_180, %parallel_loop3A_181] {strides = array<i32>} : memref<128x128xf32, #tpu.memory_space<vmem>>, vector<16xf32>,
      %parallel_loop3A_183 = arith.constant 8.000000e+00 : f32
      %parallel_loop3A_184 = vector.broadcast %parallel_loop3A_183 : f32 to vector<16xf32>
      %parallel_loop3A_185 = arith.subf %parallel_loop3A_184, %parallel_loop3A_182 : vector<16xf32>
      %parallel_loop3A_186 = arith.constant 0.000000e+00 : f32
      %parallel_loop3A_187 = arith.constant 1.500000e+01 : f32
      %parallel_loop3A_188 = vector.broadcast %parallel_loop3A_186 : f32 to vector<16xf32>
      %parallel_loop3A_189 = arith.maximumf %parallel_loop3A_188, %parallel_loop3A_185 : vector<16xf32>
      %parallel_loop3A_190 = vector.broadcast %parallel_loop3A_187 : f32 to vector<16xf32>
      %parallel_loop3A_191 = arith.minimumf %parallel_loop3A_190, %parallel_loop3A_189 : vector<16xf32>
      %parallel_loop3A_192 = arith.fptosi %parallel_loop3A_191 : vector<16xf32> to vector<16xi32>
      %parallel_loop3A_193 = arith.sitofp %parallel_loop3A_192 : vector<16xi32> to vector<16xf32>
      %parallel_loop3A_194 = arith.constant 7.500000e+00 : f32
      %parallel_loop3A_195 = vector.broadcast %parallel_loop3A_194 : f32 to vector<16xf32>
      %parallel_loop3A_196 = arith.subf %parallel_loop3A_195, %parallel_loop3A_193 : vector<16xf32>
      %parallel_loop3A_197 = arith.index_cast %parallel_loop3A_99 : i32 to index
      %parallel_loop3A_198 = arith.constant 64 : index
      %parallel_loop3A_199 = tpu.vector_load %arg6[%parallel_loop3A_197, %parallel_loop3A_198] {strides = array<i32>} : memref<128x128xf32, #tpu.memory_space<vmem>>, vector<16xf32>,
      tpu.vector_store %arg6[%parallel_loop3A_197, %parallel_loop3A_198], %parallel_loop3A_196 {strides = array<i32>} : memref<128x128xf32, #tpu.memory_space<vmem>>, vector<16xf32>,
      %parallel_loop3A_200 = arith.index_cast %parallel_loop3A_99 : i32 to index
      %parallel_loop3A_201 = arith.constant 80 : index
      %parallel_loop3A_202 = tpu.vector_load %arg4[%parallel_loop3A_200, %parallel_loop3A_201] {strides = array<i32>} : memref<128x128xf32, #tpu.memory_space<vmem>>, vector<16xf32>,
      %parallel_loop3A_203 = arith.constant 8.000000e+00 : f32
      %parallel_loop3A_204 = vector.broadcast %parallel_loop3A_203 : f32 to vector<16xf32>
      %parallel_loop3A_205 = arith.subf %parallel_loop3A_204, %parallel_loop3A_202 : vector<16xf32>
      %parallel_loop3A_206 = arith.constant 0.000000e+00 : f32
      %parallel_loop3A_207 = arith.constant 1.500000e+01 : f32
      %parallel_loop3A_208 = vector.broadcast %parallel_loop3A_206 : f32 to vector<16xf32>
      %parallel_loop3A_209 = arith.maximumf %parallel_loop3A_208, %parallel_loop3A_205 : vector<16xf32>
      %parallel_loop3A_210 = vector.broadcast %parallel_loop3A_207 : f32 to vector<16xf32>
      %parallel_loop3A_211 = arith.minimumf %parallel_loop3A_210, %parallel_loop3A_209 : vector<16xf32>
      %parallel_loop3A_212 = arith.fptosi %parallel_loop3A_211 : vector<16xf32> to vector<16xi32>
      %parallel_loop3A_213 = arith.sitofp %parallel_loop3A_212 : vector<16xi32> to vector<16xf32>
      %parallel_loop3A_214 = arith.constant 7.500000e+00 : f32
      %parallel_loop3A_215 = vector.broadcast %parallel_loop3A_214 : f32 to vector<16xf32>
      %parallel_loop3A_216 = arith.subf %parallel_loop3A_215, %parallel_loop3A_213 : vector<16xf32>
      %parallel_loop3A_217 = arith.index_cast %parallel_loop3A_99 : i32 to index
      %parallel_loop3A_218 = arith.constant 80 : index
      %parallel_loop3A_219 = tpu.vector_load %arg6[%parallel_loop3A_217, %parallel_loop3A_218] {strides = array<i32>} : memref<128x128xf32, #tpu.memory_space<vmem>>, vector<16xf32>,
      tpu.vector_store %arg6[%parallel_loop3A_217, %parallel_loop3A_218], %parallel_loop3A_216 {strides = array<i32>} : memref<128x128xf32, #tpu.memory_space<vmem>>, vector<16xf32>,
      %parallel_loop3A_220 = arith.index_cast %parallel_loop3A_99 : i32 to index
      %parallel_loop3A_221 = arith.constant 96 : index
      %parallel_loop3A_222 = tpu.vector_load %arg4[%parallel_loop3A_220, %parallel_loop3A_221] {strides = array<i32>} : memref<128x128xf32, #tpu.memory_space<vmem>>, vector<16xf32>,
      %parallel_loop3A_223 = arith.constant 8.000000e+00 : f32
      %parallel_loop3A_224 = vector.broadcast %parallel_loop3A_223 : f32 to vector<16xf32>
      %parallel_loop3A_225 = arith.subf %parallel_loop3A_224, %parallel_loop3A_222 : vector<16xf32>
      %parallel_loop3A_226 = arith.constant 0.000000e+00 : f32
      %parallel_loop3A_227 = arith.constant 1.500000e+01 : f32
      %parallel_loop3A_228 = vector.broadcast %parallel_loop3A_226 : f32 to vector<16xf32>
      %parallel_loop3A_229 = arith.maximumf %parallel_loop3A_228, %parallel_loop3A_225 : vector<16xf32>
      %parallel_loop3A_230 = vector.broadcast %parallel_loop3A_227 : f32 to vector<16xf32>
      %parallel_loop3A_231 = arith.minimumf %parallel_loop3A_230, %parallel_loop3A_229 : vector<16xf32>
      %parallel_loop3A_232 = arith.fptosi %parallel_loop3A_231 : vector<16xf32> to vector<16xi32>
      %parallel_loop3A_233 = arith.sitofp %parallel_loop3A_232 : vector<16xi32> to vector<16xf32>
      %parallel_loop3A_234 = arith.constant 7.500000e+00 : f32
      %parallel_loop3A_235 = vector.broadcast %parallel_loop3A_234 : f32 to vector<16xf32>
      %parallel_loop3A_236 = arith.subf %parallel_loop3A_235, %parallel_loop3A_233 : vector<16xf32>
      %parallel_loop3A_237 = arith.index_cast %parallel_loop3A_99 : i32 to index
      %parallel_loop3A_238 = arith.constant 96 : index
      %parallel_loop3A_239 = tpu.vector_load %arg6[%parallel_loop3A_237, %parallel_loop3A_238] {strides = array<i32>} : memref<128x128xf32, #tpu.memory_space<vmem>>, vector<16xf32>,
      tpu.vector_store %arg6[%parallel_loop3A_237, %parallel_loop3A_238], %parallel_loop3A_236 {strides = array<i32>} : memref<128x128xf32, #tpu.memory_space<vmem>>, vector<16xf32>,
      %parallel_loop3A_240 = arith.index_cast %parallel_loop3A_99 : i32 to index
      %parallel_loop3A_241 = arith.constant 112 : index
      %parallel_loop3A_242 = tpu.vector_load %arg4[%parallel_loop3A_240, %parallel_loop3A_241] {strides = array<i32>} : memref<128x128xf32, #tpu.memory_space<vmem>>, vector<16xf32>,
      %parallel_loop3A_243 = arith.constant 8.000000e+00 : f32
      %parallel_loop3A_244 = vector.broadcast %parallel_loop3A_243 : f32 to vector<16xf32>
      %parallel_loop3A_245 = arith.subf %parallel_loop3A_244, %parallel_loop3A_242 : vector<16xf32>
      %parallel_loop3A_246 = arith.constant 0.000000e+00 : f32
      %parallel_loop3A_247 = arith.constant 1.500000e+01 : f32
      %parallel_loop3A_248 = vector.broadcast %parallel_loop3A_246 : f32 to vector<16xf32>
      %parallel_loop3A_249 = arith.maximumf %parallel_loop3A_248, %parallel_loop3A_245 : vector<16xf32>
      %parallel_loop3A_250 = vector.broadcast %parallel_loop3A_247 : f32 to vector<16xf32>
      %parallel_loop3A_251 = arith.minimumf %parallel_loop3A_250, %parallel_loop3A_249 : vector<16xf32>
      %parallel_loop3A_252 = arith.fptosi %parallel_loop3A_251 : vector<16xf32> to vector<16xi32>
      %parallel_loop3A_253 = arith.sitofp %parallel_loop3A_252 : vector<16xi32> to vector<16xf32>
      %parallel_loop3A_254 = arith.constant 7.500000e+00 : f32
      %parallel_loop3A_255 = vector.broadcast %parallel_loop3A_254 : f32 to vector<16xf32>
      %parallel_loop3A_256 = arith.subf %parallel_loop3A_255, %parallel_loop3A_253 : vector<16xf32>
      %parallel_loop3A_257 = arith.index_cast %parallel_loop3A_99 : i32 to index
      %parallel_loop3A_258 = arith.constant 112 : index
      %parallel_loop3A_259 = tpu.vector_load %arg6[%parallel_loop3A_257, %parallel_loop3A_258] {strides = array<i32>} : memref<128x128xf32, #tpu.memory_space<vmem>>, vector<16xf32>,
      tpu.vector_store %arg6[%parallel_loop3A_257, %parallel_loop3A_258], %parallel_loop3A_256 {strides = array<i32>} : memref<128x128xf32, #tpu.memory_space<vmem>>, vector<16xf32>,
    } {sc.loop_unroll_factor = 1 : i64, sc.parallel_access}
    %add3A_20 = arith.constant 0 : i32
    %add3A_21 = arith.addi %mul3A_2, %add3A_20 : i32
    %multiple_of3A_22 = tpu.assume_multiple %add3A_21, 128 : i32
    %dma_start3A_23 = arith.constant 0 : i32
    %dma_start3A_24 = tpu.memref_slice %arg3[%multiple_of3A_22, %dma_start3A_23] : memref<16384x128xf32, #tpu.memory_space<hbm>> -> memref<128x128xf32, #tpu.memory_space<hbm>>
    %dma_start3A_25 = arith.constant 0 : i32
    %dma_start3A_26 = tpu.memref_slice %arg3[%multiple_of3A_22, %dma_start3A_25] : memref<16384x128xf32, #tpu.memory_space<hbm>> -> memref<128x128xf32, #tpu.memory_space<hbm>>
    tpu.enqueue_dma source(%arg6 : memref<128x128xf32, #tpu.memory_space<vmem>>) target(%dma_start3A_26 : memref<128x128xf32, #tpu.memory_space<hbm>>) target_semaphore(%arg10 : memref<!tpu.dma_semaphore, #tpu.memory_space<semaphore_mem>>)
    %add3A_27 = arith.constant 256 : i32
    %add3A_28 = arith.addi %mul3A_2, %add3A_27 : i32
    %multiple_of3A_29 = tpu.assume_multiple %add3A_28, 128 : i32
    %dma_start3A_30 = arith.constant 0 : i32
    %dma_start3A_31 = tpu.memref_slice %arg2[%multiple_of3A_29, %dma_start3A_30] : memref<16384x128xf32, #tpu.memory_space<hbm>> -> memref<128x128xf32, #tpu.memory_space<hbm>>
    %dma_start3A_32 = arith.constant 0 : i32
    %dma_start3A_33 = tpu.memref_slice %arg2[%multiple_of3A_29, %dma_start3A_32] : memref<16384x128xf32, #tpu.memory_space<hbm>> -> memref<128x128xf32, #tpu.memory_space<hbm>>
    tpu.enqueue_dma source(%dma_start3A_33 : memref<128x128xf32, #tpu.memory_space<hbm>>) target(%arg4 : memref<128x128xf32, #tpu.memory_space<vmem>>) target_semaphore(%arg8 : memref<!tpu.dma_semaphore, #tpu.memory_space<semaphore_mem>>)
    %dma_wait3A_34 = arith.constant 0 : i32
    %dma_wait3A_35 = tpu.memref_slice %arg2[%multiple_of3A_10, %dma_wait3A_34] : memref<16384x128xf32, #tpu.memory_space<hbm>> -> memref<128x128xf32, #tpu.memory_space<hbm>>
    %dma_wait3A_36 = arith.constant 0 : i32
    %dma_wait3A_37 = tpu.memref_slice %arg2[%multiple_of3A_10, %dma_wait3A_36] : memref<16384x128xf32, #tpu.memory_space<hbm>> -> memref<128x128xf32, #tpu.memory_space<hbm>>
    tpu.wait_dma2 semaphore(%arg9 : memref<!tpu.dma_semaphore, #tpu.memory_space<semaphore_mem>>) src(%dma_wait3A_37 : memref<128x128xf32, #tpu.memory_space<hbm>>) dst(%arg5 : memref<128x128xf32, #tpu.memory_space<vmem>>)
    %parallel_loop3A_38 = arith.constant 0 : i32
    %parallel_loop3A_39 = arith.constant 128 : i32
    %parallel_loop3A_40 = arith.constant 1 : i32
    scf.for %parallel_loop3A_99 = %parallel_loop3A_38 to %parallel_loop3A_39 step %parallel_loop3A_40  : i32 {
      %parallel_loop3A_100 = arith.index_cast %parallel_loop3A_99 : i32 to index
      %parallel_loop3A_101 = arith.constant 0 : index
      %parallel_loop3A_102 = tpu.vector_load %arg5[%parallel_loop3A_100, %parallel_loop3A_101] {strides = array<i32>} : memref<128x128xf32, #tpu.memory_space<vmem>>, vector<16xf32>,
      %parallel_loop3A_103 = arith.constant 8.000000e+00 : f32
      %parallel_loop3A_104 = vector.broadcast %parallel_loop3A_103 : f32 to vector<16xf32>
      %parallel_loop3A_105 = arith.subf %parallel_loop3A_104, %parallel_loop3A_102 : vector<16xf32>
      %parallel_loop3A_106 = arith.constant 0.000000e+00 : f32
      %parallel_loop3A_107 = arith.constant 1.500000e+01 : f32
      %parallel_loop3A_108 = vector.broadcast %parallel_loop3A_106 : f32 to vector<16xf32>
      %parallel_loop3A_109 = arith.maximumf %parallel_loop3A_108, %parallel_loop3A_105 : vector<16xf32>
      %parallel_loop3A_110 = vector.broadcast %parallel_loop3A_107 : f32 to vector<16xf32>
      %parallel_loop3A_111 = arith.minimumf %parallel_loop3A_110, %parallel_loop3A_109 : vector<16xf32>
      %parallel_loop3A_112 = arith.fptosi %parallel_loop3A_111 : vector<16xf32> to vector<16xi32>
      %parallel_loop3A_113 = arith.sitofp %parallel_loop3A_112 : vector<16xi32> to vector<16xf32>
      %parallel_loop3A_114 = arith.constant 7.500000e+00 : f32
      %parallel_loop3A_115 = vector.broadcast %parallel_loop3A_114 : f32 to vector<16xf32>
      %parallel_loop3A_116 = arith.subf %parallel_loop3A_115, %parallel_loop3A_113 : vector<16xf32>
      %parallel_loop3A_117 = arith.index_cast %parallel_loop3A_99 : i32 to index
      %parallel_loop3A_118 = arith.constant 0 : index
      %parallel_loop3A_119 = tpu.vector_load %arg7[%parallel_loop3A_117, %parallel_loop3A_118] {strides = array<i32>} : memref<128x128xf32, #tpu.memory_space<vmem>>, vector<16xf32>,
      tpu.vector_store %arg7[%parallel_loop3A_117, %parallel_loop3A_118], %parallel_loop3A_116 {strides = array<i32>} : memref<128x128xf32, #tpu.memory_space<vmem>>, vector<16xf32>,
      %parallel_loop3A_120 = arith.index_cast %parallel_loop3A_99 : i32 to index
      %parallel_loop3A_121 = arith.constant 16 : index
      %parallel_loop3A_122 = tpu.vector_load %arg5[%parallel_loop3A_120, %parallel_loop3A_121] {strides = array<i32>} : memref<128x128xf32, #tpu.memory_space<vmem>>, vector<16xf32>,
      %parallel_loop3A_123 = arith.constant 8.000000e+00 : f32
      %parallel_loop3A_124 = vector.broadcast %parallel_loop3A_123 : f32 to vector<16xf32>
      %parallel_loop3A_125 = arith.subf %parallel_loop3A_124, %parallel_loop3A_122 : vector<16xf32>
      %parallel_loop3A_126 = arith.constant 0.000000e+00 : f32
      %parallel_loop3A_127 = arith.constant 1.500000e+01 : f32
      %parallel_loop3A_128 = vector.broadcast %parallel_loop3A_126 : f32 to vector<16xf32>
      %parallel_loop3A_129 = arith.maximumf %parallel_loop3A_128, %parallel_loop3A_125 : vector<16xf32>
      %parallel_loop3A_130 = vector.broadcast %parallel_loop3A_127 : f32 to vector<16xf32>
      %parallel_loop3A_131 = arith.minimumf %parallel_loop3A_130, %parallel_loop3A_129 : vector<16xf32>
      %parallel_loop3A_132 = arith.fptosi %parallel_loop3A_131 : vector<16xf32> to vector<16xi32>
      %parallel_loop3A_133 = arith.sitofp %parallel_loop3A_132 : vector<16xi32> to vector<16xf32>
      %parallel_loop3A_134 = arith.constant 7.500000e+00 : f32
      %parallel_loop3A_135 = vector.broadcast %parallel_loop3A_134 : f32 to vector<16xf32>
      %parallel_loop3A_136 = arith.subf %parallel_loop3A_135, %parallel_loop3A_133 : vector<16xf32>
      %parallel_loop3A_137 = arith.index_cast %parallel_loop3A_99 : i32 to index
      %parallel_loop3A_138 = arith.constant 16 : index
      %parallel_loop3A_139 = tpu.vector_load %arg7[%parallel_loop3A_137, %parallel_loop3A_138] {strides = array<i32>} : memref<128x128xf32, #tpu.memory_space<vmem>>, vector<16xf32>,
      tpu.vector_store %arg7[%parallel_loop3A_137, %parallel_loop3A_138], %parallel_loop3A_136 {strides = array<i32>} : memref<128x128xf32, #tpu.memory_space<vmem>>, vector<16xf32>,
      %parallel_loop3A_140 = arith.index_cast %parallel_loop3A_99 : i32 to index
      %parallel_loop3A_141 = arith.constant 32 : index
      %parallel_loop3A_142 = tpu.vector_load %arg5[%parallel_loop3A_140, %parallel_loop3A_141] {strides = array<i32>} : memref<128x128xf32, #tpu.memory_space<vmem>>, vector<16xf32>,
      %parallel_loop3A_143 = arith.constant 8.000000e+00 : f32
      %parallel_loop3A_144 = vector.broadcast %parallel_loop3A_143 : f32 to vector<16xf32>
      %parallel_loop3A_145 = arith.subf %parallel_loop3A_144, %parallel_loop3A_142 : vector<16xf32>
      %parallel_loop3A_146 = arith.constant 0.000000e+00 : f32
      %parallel_loop3A_147 = arith.constant 1.500000e+01 : f32
      %parallel_loop3A_148 = vector.broadcast %parallel_loop3A_146 : f32 to vector<16xf32>
      %parallel_loop3A_149 = arith.maximumf %parallel_loop3A_148, %parallel_loop3A_145 : vector<16xf32>
      %parallel_loop3A_150 = vector.broadcast %parallel_loop3A_147 : f32 to vector<16xf32>
      %parallel_loop3A_151 = arith.minimumf %parallel_loop3A_150, %parallel_loop3A_149 : vector<16xf32>
      %parallel_loop3A_152 = arith.fptosi %parallel_loop3A_151 : vector<16xf32> to vector<16xi32>
      %parallel_loop3A_153 = arith.sitofp %parallel_loop3A_152 : vector<16xi32> to vector<16xf32>
      %parallel_loop3A_154 = arith.constant 7.500000e+00 : f32
      %parallel_loop3A_155 = vector.broadcast %parallel_loop3A_154 : f32 to vector<16xf32>
      %parallel_loop3A_156 = arith.subf %parallel_loop3A_155, %parallel_loop3A_153 : vector<16xf32>
      %parallel_loop3A_157 = arith.index_cast %parallel_loop3A_99 : i32 to index
      %parallel_loop3A_158 = arith.constant 32 : index
      %parallel_loop3A_159 = tpu.vector_load %arg7[%parallel_loop3A_157, %parallel_loop3A_158] {strides = array<i32>} : memref<128x128xf32, #tpu.memory_space<vmem>>, vector<16xf32>,
      tpu.vector_store %arg7[%parallel_loop3A_157, %parallel_loop3A_158], %parallel_loop3A_156 {strides = array<i32>} : memref<128x128xf32, #tpu.memory_space<vmem>>, vector<16xf32>,
      %parallel_loop3A_160 = arith.index_cast %parallel_loop3A_99 : i32 to index
      %parallel_loop3A_161 = arith.constant 48 : index
      %parallel_loop3A_162 = tpu.vector_load %arg5[%parallel_loop3A_160, %parallel_loop3A_161] {strides = array<i32>} : memref<128x128xf32, #tpu.memory_space<vmem>>, vector<16xf32>,
      %parallel_loop3A_163 = arith.constant 8.000000e+00 : f32
      %parallel_loop3A_164 = vector.broadcast %parallel_loop3A_163 : f32 to vector<16xf32>
      %parallel_loop3A_165 = arith.subf %parallel_loop3A_164, %parallel_loop3A_162 : vector<16xf32>
      %parallel_loop3A_166 = arith.constant 0.000000e+00 : f32
      %parallel_loop3A_167 = arith.constant 1.500000e+01 : f32
      %parallel_loop3A_168 = vector.broadcast %parallel_loop3A_166 : f32 to vector<16xf32>
      %parallel_loop3A_169 = arith.maximumf %parallel_loop3A_168, %parallel_loop3A_165 : vector<16xf32>
      %parallel_loop3A_170 = vector.broadcast %parallel_loop3A_167 : f32 to vector<16xf32>
      %parallel_loop3A_171 = arith.minimumf %parallel_loop3A_170, %parallel_loop3A_169 : vector<16xf32>
      %parallel_loop3A_172 = arith.fptosi %parallel_loop3A_171 : vector<16xf32> to vector<16xi32>
      %parallel_loop3A_173 = arith.sitofp %parallel_loop3A_172 : vector<16xi32> to vector<16xf32>
      %parallel_loop3A_174 = arith.constant 7.500000e+00 : f32
      %parallel_loop3A_175 = vector.broadcast %parallel_loop3A_174 : f32 to vector<16xf32>
      %parallel_loop3A_176 = arith.subf %parallel_loop3A_175, %parallel_loop3A_173 : vector<16xf32>
      %parallel_loop3A_177 = arith.index_cast %parallel_loop3A_99 : i32 to index
      %parallel_loop3A_178 = arith.constant 48 : index
      %parallel_loop3A_179 = tpu.vector_load %arg7[%parallel_loop3A_177, %parallel_loop3A_178] {strides = array<i32>} : memref<128x128xf32, #tpu.memory_space<vmem>>, vector<16xf32>,
      tpu.vector_store %arg7[%parallel_loop3A_177, %parallel_loop3A_178], %parallel_loop3A_176 {strides = array<i32>} : memref<128x128xf32, #tpu.memory_space<vmem>>, vector<16xf32>,
      %parallel_loop3A_180 = arith.index_cast %parallel_loop3A_99 : i32 to index
      %parallel_loop3A_181 = arith.constant 64 : index
      %parallel_loop3A_182 = tpu.vector_load %arg5[%parallel_loop3A_180, %parallel_loop3A_181] {strides = array<i32>} : memref<128x128xf32, #tpu.memory_space<vmem>>, vector<16xf32>,
      %parallel_loop3A_183 = arith.constant 8.000000e+00 : f32
      %parallel_loop3A_184 = vector.broadcast %parallel_loop3A_183 : f32 to vector<16xf32>
      %parallel_loop3A_185 = arith.subf %parallel_loop3A_184, %parallel_loop3A_182 : vector<16xf32>
      %parallel_loop3A_186 = arith.constant 0.000000e+00 : f32
      %parallel_loop3A_187 = arith.constant 1.500000e+01 : f32
      %parallel_loop3A_188 = vector.broadcast %parallel_loop3A_186 : f32 to vector<16xf32>
      %parallel_loop3A_189 = arith.maximumf %parallel_loop3A_188, %parallel_loop3A_185 : vector<16xf32>
      %parallel_loop3A_190 = vector.broadcast %parallel_loop3A_187 : f32 to vector<16xf32>
      %parallel_loop3A_191 = arith.minimumf %parallel_loop3A_190, %parallel_loop3A_189 : vector<16xf32>
      %parallel_loop3A_192 = arith.fptosi %parallel_loop3A_191 : vector<16xf32> to vector<16xi32>
      %parallel_loop3A_193 = arith.sitofp %parallel_loop3A_192 : vector<16xi32> to vector<16xf32>
      %parallel_loop3A_194 = arith.constant 7.500000e+00 : f32
      %parallel_loop3A_195 = vector.broadcast %parallel_loop3A_194 : f32 to vector<16xf32>
      %parallel_loop3A_196 = arith.subf %parallel_loop3A_195, %parallel_loop3A_193 : vector<16xf32>
      %parallel_loop3A_197 = arith.index_cast %parallel_loop3A_99 : i32 to index
      %parallel_loop3A_198 = arith.constant 64 : index
      %parallel_loop3A_199 = tpu.vector_load %arg7[%parallel_loop3A_197, %parallel_loop3A_198] {strides = array<i32>} : memref<128x128xf32, #tpu.memory_space<vmem>>, vector<16xf32>,
      tpu.vector_store %arg7[%parallel_loop3A_197, %parallel_loop3A_198], %parallel_loop3A_196 {strides = array<i32>} : memref<128x128xf32, #tpu.memory_space<vmem>>, vector<16xf32>,
      %parallel_loop3A_200 = arith.index_cast %parallel_loop3A_99 : i32 to index
      %parallel_loop3A_201 = arith.constant 80 : index
      %parallel_loop3A_202 = tpu.vector_load %arg5[%parallel_loop3A_200, %parallel_loop3A_201] {strides = array<i32>} : memref<128x128xf32, #tpu.memory_space<vmem>>, vector<16xf32>,
      %parallel_loop3A_203 = arith.constant 8.000000e+00 : f32
      %parallel_loop3A_204 = vector.broadcast %parallel_loop3A_203 : f32 to vector<16xf32>
      %parallel_loop3A_205 = arith.subf %parallel_loop3A_204, %parallel_loop3A_202 : vector<16xf32>
      %parallel_loop3A_206 = arith.constant 0.000000e+00 : f32
      %parallel_loop3A_207 = arith.constant 1.500000e+01 : f32
      %parallel_loop3A_208 = vector.broadcast %parallel_loop3A_206 : f32 to vector<16xf32>
      %parallel_loop3A_209 = arith.maximumf %parallel_loop3A_208, %parallel_loop3A_205 : vector<16xf32>
      %parallel_loop3A_210 = vector.broadcast %parallel_loop3A_207 : f32 to vector<16xf32>
      %parallel_loop3A_211 = arith.minimumf %parallel_loop3A_210, %parallel_loop3A_209 : vector<16xf32>
      %parallel_loop3A_212 = arith.fptosi %parallel_loop3A_211 : vector<16xf32> to vector<16xi32>
      %parallel_loop3A_213 = arith.sitofp %parallel_loop3A_212 : vector<16xi32> to vector<16xf32>
      %parallel_loop3A_214 = arith.constant 7.500000e+00 : f32
      %parallel_loop3A_215 = vector.broadcast %parallel_loop3A_214 : f32 to vector<16xf32>
      %parallel_loop3A_216 = arith.subf %parallel_loop3A_215, %parallel_loop3A_213 : vector<16xf32>
      %parallel_loop3A_217 = arith.index_cast %parallel_loop3A_99 : i32 to index
      %parallel_loop3A_218 = arith.constant 80 : index
      %parallel_loop3A_219 = tpu.vector_load %arg7[%parallel_loop3A_217, %parallel_loop3A_218] {strides = array<i32>} : memref<128x128xf32, #tpu.memory_space<vmem>>, vector<16xf32>,
      tpu.vector_store %arg7[%parallel_loop3A_217, %parallel_loop3A_218], %parallel_loop3A_216 {strides = array<i32>} : memref<128x128xf32, #tpu.memory_space<vmem>>, vector<16xf32>,
      %parallel_loop3A_220 = arith.index_cast %parallel_loop3A_99 : i32 to index
      %parallel_loop3A_221 = arith.constant 96 : index
      %parallel_loop3A_222 = tpu.vector_load %arg5[%parallel_loop3A_220, %parallel_loop3A_221] {strides = array<i32>} : memref<128x128xf32, #tpu.memory_space<vmem>>, vector<16xf32>,
      %parallel_loop3A_223 = arith.constant 8.000000e+00 : f32
      %parallel_loop3A_224 = vector.broadcast %parallel_loop3A_223 : f32 to vector<16xf32>
      %parallel_loop3A_225 = arith.subf %parallel_loop3A_224, %parallel_loop3A_222 : vector<16xf32>
      %parallel_loop3A_226 = arith.constant 0.000000e+00 : f32
      %parallel_loop3A_227 = arith.constant 1.500000e+01 : f32
      %parallel_loop3A_228 = vector.broadcast %parallel_loop3A_226 : f32 to vector<16xf32>
      %parallel_loop3A_229 = arith.maximumf %parallel_loop3A_228, %parallel_loop3A_225 : vector<16xf32>
      %parallel_loop3A_230 = vector.broadcast %parallel_loop3A_227 : f32 to vector<16xf32>
      %parallel_loop3A_231 = arith.minimumf %parallel_loop3A_230, %parallel_loop3A_229 : vector<16xf32>
      %parallel_loop3A_232 = arith.fptosi %parallel_loop3A_231 : vector<16xf32> to vector<16xi32>
      %parallel_loop3A_233 = arith.sitofp %parallel_loop3A_232 : vector<16xi32> to vector<16xf32>
      %parallel_loop3A_234 = arith.constant 7.500000e+00 : f32
      %parallel_loop3A_235 = vector.broadcast %parallel_loop3A_234 : f32 to vector<16xf32>
      %parallel_loop3A_236 = arith.subf %parallel_loop3A_235, %parallel_loop3A_233 : vector<16xf32>
      %parallel_loop3A_237 = arith.index_cast %parallel_loop3A_99 : i32 to index
      %parallel_loop3A_238 = arith.constant 96 : index
      %parallel_loop3A_239 = tpu.vector_load %arg7[%parallel_loop3A_237, %parallel_loop3A_238] {strides = array<i32>} : memref<128x128xf32, #tpu.memory_space<vmem>>, vector<16xf32>,
      tpu.vector_store %arg7[%parallel_loop3A_237, %parallel_loop3A_238], %parallel_loop3A_236 {strides = array<i32>} : memref<128x128xf32, #tpu.memory_space<vmem>>, vector<16xf32>,
      %parallel_loop3A_240 = arith.index_cast %parallel_loop3A_99 : i32 to index
      %parallel_loop3A_241 = arith.constant 112 : index
      %parallel_loop3A_242 = tpu.vector_load %arg5[%parallel_loop3A_240, %parallel_loop3A_241] {strides = array<i32>} : memref<128x128xf32, #tpu.memory_space<vmem>>, vector<16xf32>,
      %parallel_loop3A_243 = arith.constant 8.000000e+00 : f32
      %parallel_loop3A_244 = vector.broadcast %parallel_loop3A_243 : f32 to vector<16xf32>
      %parallel_loop3A_245 = arith.subf %parallel_loop3A_244, %parallel_loop3A_242 : vector<16xf32>
      %parallel_loop3A_246 = arith.constant 0.000000e+00 : f32
      %parallel_loop3A_247 = arith.constant 1.500000e+01 : f32
      %parallel_loop3A_248 = vector.broadcast %parallel_loop3A_246 : f32 to vector<16xf32>
      %parallel_loop3A_249 = arith.maximumf %parallel_loop3A_248, %parallel_loop3A_245 : vector<16xf32>
      %parallel_loop3A_250 = vector.broadcast %parallel_loop3A_247 : f32 to vector<16xf32>
      %parallel_loop3A_251 = arith.minimumf %parallel_loop3A_250, %parallel_loop3A_249 : vector<16xf32>
      %parallel_loop3A_252 = arith.fptosi %parallel_loop3A_251 : vector<16xf32> to vector<16xi32>
      %parallel_loop3A_253 = arith.sitofp %parallel_loop3A_252 : vector<16xi32> to vector<16xf32>
      %parallel_loop3A_254 = arith.constant 7.500000e+00 : f32
      %parallel_loop3A_255 = vector.broadcast %parallel_loop3A_254 : f32 to vector<16xf32>
      %parallel_loop3A_256 = arith.subf %parallel_loop3A_255, %parallel_loop3A_253 : vector<16xf32>
      %parallel_loop3A_257 = arith.index_cast %parallel_loop3A_99 : i32 to index
      %parallel_loop3A_258 = arith.constant 112 : index
      %parallel_loop3A_259 = tpu.vector_load %arg7[%parallel_loop3A_257, %parallel_loop3A_258] {strides = array<i32>} : memref<128x128xf32, #tpu.memory_space<vmem>>, vector<16xf32>,
      tpu.vector_store %arg7[%parallel_loop3A_257, %parallel_loop3A_258], %parallel_loop3A_256 {strides = array<i32>} : memref<128x128xf32, #tpu.memory_space<vmem>>, vector<16xf32>,
    } {sc.loop_unroll_factor = 1 : i64, sc.parallel_access}
    %add3A_41 = arith.constant 128 : i32
    %add3A_42 = arith.addi %mul3A_2, %add3A_41 : i32
    %multiple_of3A_43 = tpu.assume_multiple %add3A_42, 128 : i32
    %dma_start3A_44 = arith.constant 0 : i32
    %dma_start3A_45 = tpu.memref_slice %arg3[%multiple_of3A_43, %dma_start3A_44] : memref<16384x128xf32, #tpu.memory_space<hbm>> -> memref<128x128xf32, #tpu.memory_space<hbm>>
    %dma_start3A_46 = arith.constant 0 : i32
    %dma_start3A_47 = tpu.memref_slice %arg3[%multiple_of3A_43, %dma_start3A_46] : memref<16384x128xf32, #tpu.memory_space<hbm>> -> memref<128x128xf32, #tpu.memory_space<hbm>>
    tpu.enqueue_dma source(%arg7 : memref<128x128xf32, #tpu.memory_space<vmem>>) target(%dma_start3A_47 : memref<128x128xf32, #tpu.memory_space<hbm>>) target_semaphore(%arg11 : memref<!tpu.dma_semaphore, #tpu.memory_space<semaphore_mem>>)
    %add3A_48 = arith.constant 384 : i32
    %add3A_49 = arith.addi %mul3A_2, %add3A_48 : i32
    %multiple_of3A_50 = tpu.assume_multiple %add3A_49, 128 : i32
    %dma_start3A_51 = arith.constant 0 : i32
    %dma_start3A_52 = tpu.memref_slice %arg2[%multiple_of3A_50, %dma_start3A_51] : memref<16384x128xf32, #tpu.memory_space<hbm>> -> memref<128x128xf32, #tpu.memory_space<hbm>>
    %dma_start3A_53 = arith.constant 0 : i32
    %dma_start3A_54 = tpu.memref_slice %arg2[%multiple_of3A_50, %dma_start3A_53] : memref<16384x128xf32, #tpu.memory_space<hbm>> -> memref<128x128xf32, #tpu.memory_space<hbm>>
    tpu.enqueue_dma source(%dma_start3A_54 : memref<128x128xf32, #tpu.memory_space<hbm>>) target(%arg5 : memref<128x128xf32, #tpu.memory_space<vmem>>) target_semaphore(%arg9 : memref<!tpu.dma_semaphore, #tpu.memory_space<semaphore_mem>>)
    %dma_wait3A_55 = arith.constant 0 : i32
    %dma_wait3A_56 = tpu.memref_slice %arg2[%multiple_of3A_29, %dma_wait3A_55] : memref<16384x128xf32, #tpu.memory_space<hbm>> -> memref<128x128xf32, #tpu.memory_space<hbm>>
    %dma_wait3A_57 = arith.constant 0 : i32
    %dma_wait3A_58 = tpu.memref_slice %arg2[%multiple_of3A_29, %dma_wait3A_57] : memref<16384x128xf32, #tpu.memory_space<hbm>> -> memref<128x128xf32, #tpu.memory_space<hbm>>
    tpu.wait_dma2 semaphore(%arg8 : memref<!tpu.dma_semaphore, #tpu.memory_space<semaphore_mem>>) src(%dma_wait3A_58 : memref<128x128xf32, #tpu.memory_space<hbm>>) dst(%arg4 : memref<128x128xf32, #tpu.memory_space<vmem>>)
    %dma_wait3A_59 = arith.constant 0 : i32
    %dma_wait3A_60 = tpu.memref_slice %arg3[%multiple_of3A_22, %dma_wait3A_59] : memref<16384x128xf32, #tpu.memory_space<hbm>> -> memref<128x128xf32, #tpu.memory_space<hbm>>
    %dma_wait3A_61 = arith.constant 0 : i32
    %dma_wait3A_62 = tpu.memref_slice %arg3[%multiple_of3A_22, %dma_wait3A_61] : memref<16384x128xf32, #tpu.memory_space<hbm>> -> memref<128x128xf32, #tpu.memory_space<hbm>>
    tpu.wait_dma2 semaphore(%arg10 : memref<!tpu.dma_semaphore, #tpu.memory_space<semaphore_mem>>) src(%arg6 : memref<128x128xf32, #tpu.memory_space<vmem>>) dst(%dma_wait3A_62 : memref<128x128xf32, #tpu.memory_space<hbm>>)
    %parallel_loop3A_63 = arith.constant 0 : i32
    %parallel_loop3A_64 = arith.constant 128 : i32
    %parallel_loop3A_65 = arith.constant 1 : i32
    scf.for %parallel_loop3A_99 = %parallel_loop3A_63 to %parallel_loop3A_64 step %parallel_loop3A_65  : i32 {
      %parallel_loop3A_100 = arith.index_cast %parallel_loop3A_99 : i32 to index
      %parallel_loop3A_101 = arith.constant 0 : index
      %parallel_loop3A_102 = tpu.vector_load %arg4[%parallel_loop3A_100, %parallel_loop3A_101] {strides = array<i32>} : memref<128x128xf32, #tpu.memory_space<vmem>>, vector<16xf32>,
      %parallel_loop3A_103 = arith.constant 8.000000e+00 : f32
      %parallel_loop3A_104 = vector.broadcast %parallel_loop3A_103 : f32 to vector<16xf32>
      %parallel_loop3A_105 = arith.subf %parallel_loop3A_104, %parallel_loop3A_102 : vector<16xf32>
      %parallel_loop3A_106 = arith.constant 0.000000e+00 : f32
      %parallel_loop3A_107 = arith.constant 1.500000e+01 : f32
      %parallel_loop3A_108 = vector.broadcast %parallel_loop3A_106 : f32 to vector<16xf32>
      %parallel_loop3A_109 = arith.maximumf %parallel_loop3A_108, %parallel_loop3A_105 : vector<16xf32>
      %parallel_loop3A_110 = vector.broadcast %parallel_loop3A_107 : f32 to vector<16xf32>
      %parallel_loop3A_111 = arith.minimumf %parallel_loop3A_110, %parallel_loop3A_109 : vector<16xf32>
      %parallel_loop3A_112 = arith.fptosi %parallel_loop3A_111 : vector<16xf32> to vector<16xi32>
      %parallel_loop3A_113 = arith.sitofp %parallel_loop3A_112 : vector<16xi32> to vector<16xf32>
      %parallel_loop3A_114 = arith.constant 7.500000e+00 : f32
      %parallel_loop3A_115 = vector.broadcast %parallel_loop3A_114 : f32 to vector<16xf32>
      %parallel_loop3A_116 = arith.subf %parallel_loop3A_115, %parallel_loop3A_113 : vector<16xf32>
      %parallel_loop3A_117 = arith.index_cast %parallel_loop3A_99 : i32 to index
      %parallel_loop3A_118 = arith.constant 0 : index
      %parallel_loop3A_119 = tpu.vector_load %arg6[%parallel_loop3A_117, %parallel_loop3A_118] {strides = array<i32>} : memref<128x128xf32, #tpu.memory_space<vmem>>, vector<16xf32>,
      tpu.vector_store %arg6[%parallel_loop3A_117, %parallel_loop3A_118], %parallel_loop3A_116 {strides = array<i32>} : memref<128x128xf32, #tpu.memory_space<vmem>>, vector<16xf32>,
      %parallel_loop3A_120 = arith.index_cast %parallel_loop3A_99 : i32 to index
      %parallel_loop3A_121 = arith.constant 16 : index
      %parallel_loop3A_122 = tpu.vector_load %arg4[%parallel_loop3A_120, %parallel_loop3A_121] {strides = array<i32>} : memref<128x128xf32, #tpu.memory_space<vmem>>, vector<16xf32>,
      %parallel_loop3A_123 = arith.constant 8.000000e+00 : f32
      %parallel_loop3A_124 = vector.broadcast %parallel_loop3A_123 : f32 to vector<16xf32>
      %parallel_loop3A_125 = arith.subf %parallel_loop3A_124, %parallel_loop3A_122 : vector<16xf32>
      %parallel_loop3A_126 = arith.constant 0.000000e+00 : f32
      %parallel_loop3A_127 = arith.constant 1.500000e+01 : f32
      %parallel_loop3A_128 = vector.broadcast %parallel_loop3A_126 : f32 to vector<16xf32>
      %parallel_loop3A_129 = arith.maximumf %parallel_loop3A_128, %parallel_loop3A_125 : vector<16xf32>
      %parallel_loop3A_130 = vector.broadcast %parallel_loop3A_127 : f32 to vector<16xf32>
      %parallel_loop3A_131 = arith.minimumf %parallel_loop3A_130, %parallel_loop3A_129 : vector<16xf32>
      %parallel_loop3A_132 = arith.fptosi %parallel_loop3A_131 : vector<16xf32> to vector<16xi32>
      %parallel_loop3A_133 = arith.sitofp %parallel_loop3A_132 : vector<16xi32> to vector<16xf32>
      %parallel_loop3A_134 = arith.constant 7.500000e+00 : f32
      %parallel_loop3A_135 = vector.broadcast %parallel_loop3A_134 : f32 to vector<16xf32>
      %parallel_loop3A_136 = arith.subf %parallel_loop3A_135, %parallel_loop3A_133 : vector<16xf32>
      %parallel_loop3A_137 = arith.index_cast %parallel_loop3A_99 : i32 to index
      %parallel_loop3A_138 = arith.constant 16 : index
      %parallel_loop3A_139 = tpu.vector_load %arg6[%parallel_loop3A_137, %parallel_loop3A_138] {strides = array<i32>} : memref<128x128xf32, #tpu.memory_space<vmem>>, vector<16xf32>,
      tpu.vector_store %arg6[%parallel_loop3A_137, %parallel_loop3A_138], %parallel_loop3A_136 {strides = array<i32>} : memref<128x128xf32, #tpu.memory_space<vmem>>, vector<16xf32>,
      %parallel_loop3A_140 = arith.index_cast %parallel_loop3A_99 : i32 to index
      %parallel_loop3A_141 = arith.constant 32 : index
      %parallel_loop3A_142 = tpu.vector_load %arg4[%parallel_loop3A_140, %parallel_loop3A_141] {strides = array<i32>} : memref<128x128xf32, #tpu.memory_space<vmem>>, vector<16xf32>,
      %parallel_loop3A_143 = arith.constant 8.000000e+00 : f32
      %parallel_loop3A_144 = vector.broadcast %parallel_loop3A_143 : f32 to vector<16xf32>
      %parallel_loop3A_145 = arith.subf %parallel_loop3A_144, %parallel_loop3A_142 : vector<16xf32>
      %parallel_loop3A_146 = arith.constant 0.000000e+00 : f32
      %parallel_loop3A_147 = arith.constant 1.500000e+01 : f32
      %parallel_loop3A_148 = vector.broadcast %parallel_loop3A_146 : f32 to vector<16xf32>
      %parallel_loop3A_149 = arith.maximumf %parallel_loop3A_148, %parallel_loop3A_145 : vector<16xf32>
      %parallel_loop3A_150 = vector.broadcast %parallel_loop3A_147 : f32 to vector<16xf32>
      %parallel_loop3A_151 = arith.minimumf %parallel_loop3A_150, %parallel_loop3A_149 : vector<16xf32>
      %parallel_loop3A_152 = arith.fptosi %parallel_loop3A_151 : vector<16xf32> to vector<16xi32>
      %parallel_loop3A_153 = arith.sitofp %parallel_loop3A_152 : vector<16xi32> to vector<16xf32>
      %parallel_loop3A_154 = arith.constant 7.500000e+00 : f32
      %parallel_loop3A_155 = vector.broadcast %parallel_loop3A_154 : f32 to vector<16xf32>
      %parallel_loop3A_156 = arith.subf %parallel_loop3A_155, %parallel_loop3A_153 : vector<16xf32>
      %parallel_loop3A_157 = arith.index_cast %parallel_loop3A_99 : i32 to index
      %parallel_loop3A_158 = arith.constant 32 : index
      %parallel_loop3A_159 = tpu.vector_load %arg6[%parallel_loop3A_157, %parallel_loop3A_158] {strides = array<i32>} : memref<128x128xf32, #tpu.memory_space<vmem>>, vector<16xf32>,
      tpu.vector_store %arg6[%parallel_loop3A_157, %parallel_loop3A_158], %parallel_loop3A_156 {strides = array<i32>} : memref<128x128xf32, #tpu.memory_space<vmem>>, vector<16xf32>,
      %parallel_loop3A_160 = arith.index_cast %parallel_loop3A_99 : i32 to index
      %parallel_loop3A_161 = arith.constant 48 : index
      %parallel_loop3A_162 = tpu.vector_load %arg4[%parallel_loop3A_160, %parallel_loop3A_161] {strides = array<i32>} : memref<128x128xf32, #tpu.memory_space<vmem>>, vector<16xf32>,
      %parallel_loop3A_163 = arith.constant 8.000000e+00 : f32
      %parallel_loop3A_164 = vector.broadcast %parallel_loop3A_163 : f32 to vector<16xf32>
      %parallel_loop3A_165 = arith.subf %parallel_loop3A_164, %parallel_loop3A_162 : vector<16xf32>
      %parallel_loop3A_166 = arith.constant 0.000000e+00 : f32
      %parallel_loop3A_167 = arith.constant 1.500000e+01 : f32
      %parallel_loop3A_168 = vector.broadcast %parallel_loop3A_166 : f32 to vector<16xf32>
      %parallel_loop3A_169 = arith.maximumf %parallel_loop3A_168, %parallel_loop3A_165 : vector<16xf32>
      %parallel_loop3A_170 = vector.broadcast %parallel_loop3A_167 : f32 to vector<16xf32>
      %parallel_loop3A_171 = arith.minimumf %parallel_loop3A_170, %parallel_loop3A_169 : vector<16xf32>
      %parallel_loop3A_172 = arith.fptosi %parallel_loop3A_171 : vector<16xf32> to vector<16xi32>
      %parallel_loop3A_173 = arith.sitofp %parallel_loop3A_172 : vector<16xi32> to vector<16xf32>
      %parallel_loop3A_174 = arith.constant 7.500000e+00 : f32
      %parallel_loop3A_175 = vector.broadcast %parallel_loop3A_174 : f32 to vector<16xf32>
      %parallel_loop3A_176 = arith.subf %parallel_loop3A_175, %parallel_loop3A_173 : vector<16xf32>
      %parallel_loop3A_177 = arith.index_cast %parallel_loop3A_99 : i32 to index
      %parallel_loop3A_178 = arith.constant 48 : index
      %parallel_loop3A_179 = tpu.vector_load %arg6[%parallel_loop3A_177, %parallel_loop3A_178] {strides = array<i32>} : memref<128x128xf32, #tpu.memory_space<vmem>>, vector<16xf32>,
      tpu.vector_store %arg6[%parallel_loop3A_177, %parallel_loop3A_178], %parallel_loop3A_176 {strides = array<i32>} : memref<128x128xf32, #tpu.memory_space<vmem>>, vector<16xf32>,
      %parallel_loop3A_180 = arith.index_cast %parallel_loop3A_99 : i32 to index
      %parallel_loop3A_181 = arith.constant 64 : index
      %parallel_loop3A_182 = tpu.vector_load %arg4[%parallel_loop3A_180, %parallel_loop3A_181] {strides = array<i32>} : memref<128x128xf32, #tpu.memory_space<vmem>>, vector<16xf32>,
      %parallel_loop3A_183 = arith.constant 8.000000e+00 : f32
      %parallel_loop3A_184 = vector.broadcast %parallel_loop3A_183 : f32 to vector<16xf32>
      %parallel_loop3A_185 = arith.subf %parallel_loop3A_184, %parallel_loop3A_182 : vector<16xf32>
      %parallel_loop3A_186 = arith.constant 0.000000e+00 : f32
      %parallel_loop3A_187 = arith.constant 1.500000e+01 : f32
      %parallel_loop3A_188 = vector.broadcast %parallel_loop3A_186 : f32 to vector<16xf32>
      %parallel_loop3A_189 = arith.maximumf %parallel_loop3A_188, %parallel_loop3A_185 : vector<16xf32>
      %parallel_loop3A_190 = vector.broadcast %parallel_loop3A_187 : f32 to vector<16xf32>
      %parallel_loop3A_191 = arith.minimumf %parallel_loop3A_190, %parallel_loop3A_189 : vector<16xf32>
      %parallel_loop3A_192 = arith.fptosi %parallel_loop3A_191 : vector<16xf32> to vector<16xi32>
      %parallel_loop3A_193 = arith.sitofp %parallel_loop3A_192 : vector<16xi32> to vector<16xf32>
      %parallel_loop3A_194 = arith.constant 7.500000e+00 : f32
      %parallel_loop3A_195 = vector.broadcast %parallel_loop3A_194 : f32 to vector<16xf32>
      %parallel_loop3A_196 = arith.subf %parallel_loop3A_195, %parallel_loop3A_193 : vector<16xf32>
      %parallel_loop3A_197 = arith.index_cast %parallel_loop3A_99 : i32 to index
      %parallel_loop3A_198 = arith.constant 64 : index
      %parallel_loop3A_199 = tpu.vector_load %arg6[%parallel_loop3A_197, %parallel_loop3A_198] {strides = array<i32>} : memref<128x128xf32, #tpu.memory_space<vmem>>, vector<16xf32>,
      tpu.vector_store %arg6[%parallel_loop3A_197, %parallel_loop3A_198], %parallel_loop3A_196 {strides = array<i32>} : memref<128x128xf32, #tpu.memory_space<vmem>>, vector<16xf32>,
      %parallel_loop3A_200 = arith.index_cast %parallel_loop3A_99 : i32 to index
      %parallel_loop3A_201 = arith.constant 80 : index
      %parallel_loop3A_202 = tpu.vector_load %arg4[%parallel_loop3A_200, %parallel_loop3A_201] {strides = array<i32>} : memref<128x128xf32, #tpu.memory_space<vmem>>, vector<16xf32>,
      %parallel_loop3A_203 = arith.constant 8.000000e+00 : f32
      %parallel_loop3A_204 = vector.broadcast %parallel_loop3A_203 : f32 to vector<16xf32>
      %parallel_loop3A_205 = arith.subf %parallel_loop3A_204, %parallel_loop3A_202 : vector<16xf32>
      %parallel_loop3A_206 = arith.constant 0.000000e+00 : f32
      %parallel_loop3A_207 = arith.constant 1.500000e+01 : f32
      %parallel_loop3A_208 = vector.broadcast %parallel_loop3A_206 : f32 to vector<16xf32>
      %parallel_loop3A_209 = arith.maximumf %parallel_loop3A_208, %parallel_loop3A_205 : vector<16xf32>
      %parallel_loop3A_210 = vector.broadcast %parallel_loop3A_207 : f32 to vector<16xf32>
      %parallel_loop3A_211 = arith.minimumf %parallel_loop3A_210, %parallel_loop3A_209 : vector<16xf32>
      %parallel_loop3A_212 = arith.fptosi %parallel_loop3A_211 : vector<16xf32> to vector<16xi32>
      %parallel_loop3A_213 = arith.sitofp %parallel_loop3A_212 : vector<16xi32> to vector<16xf32>
      %parallel_loop3A_214 = arith.constant 7.500000e+00 : f32
      %parallel_loop3A_215 = vector.broadcast %parallel_loop3A_214 : f32 to vector<16xf32>
      %parallel_loop3A_216 = arith.subf %parallel_loop3A_215, %parallel_loop3A_213 : vector<16xf32>
      %parallel_loop3A_217 = arith.index_cast %parallel_loop3A_99 : i32 to index
      %parallel_loop3A_218 = arith.constant 80 : index
      %parallel_loop3A_219 = tpu.vector_load %arg6[%parallel_loop3A_217, %parallel_loop3A_218] {strides = array<i32>} : memref<128x128xf32, #tpu.memory_space<vmem>>, vector<16xf32>,
      tpu.vector_store %arg6[%parallel_loop3A_217, %parallel_loop3A_218], %parallel_loop3A_216 {strides = array<i32>} : memref<128x128xf32, #tpu.memory_space<vmem>>, vector<16xf32>,
      %parallel_loop3A_220 = arith.index_cast %parallel_loop3A_99 : i32 to index
      %parallel_loop3A_221 = arith.constant 96 : index
      %parallel_loop3A_222 = tpu.vector_load %arg4[%parallel_loop3A_220, %parallel_loop3A_221] {strides = array<i32>} : memref<128x128xf32, #tpu.memory_space<vmem>>, vector<16xf32>,
      %parallel_loop3A_223 = arith.constant 8.000000e+00 : f32
      %parallel_loop3A_224 = vector.broadcast %parallel_loop3A_223 : f32 to vector<16xf32>
      %parallel_loop3A_225 = arith.subf %parallel_loop3A_224, %parallel_loop3A_222 : vector<16xf32>
      %parallel_loop3A_226 = arith.constant 0.000000e+00 : f32
      %parallel_loop3A_227 = arith.constant 1.500000e+01 : f32
      %parallel_loop3A_228 = vector.broadcast %parallel_loop3A_226 : f32 to vector<16xf32>
      %parallel_loop3A_229 = arith.maximumf %parallel_loop3A_228, %parallel_loop3A_225 : vector<16xf32>
      %parallel_loop3A_230 = vector.broadcast %parallel_loop3A_227 : f32 to vector<16xf32>
      %parallel_loop3A_231 = arith.minimumf %parallel_loop3A_230, %parallel_loop3A_229 : vector<16xf32>
      %parallel_loop3A_232 = arith.fptosi %parallel_loop3A_231 : vector<16xf32> to vector<16xi32>
      %parallel_loop3A_233 = arith.sitofp %parallel_loop3A_232 : vector<16xi32> to vector<16xf32>
      %parallel_loop3A_234 = arith.constant 7.500000e+00 : f32
      %parallel_loop3A_235 = vector.broadcast %parallel_loop3A_234 : f32 to vector<16xf32>
      %parallel_loop3A_236 = arith.subf %parallel_loop3A_235, %parallel_loop3A_233 : vector<16xf32>
      %parallel_loop3A_237 = arith.index_cast %parallel_loop3A_99 : i32 to index
      %parallel_loop3A_238 = arith.constant 96 : index
      %parallel_loop3A_239 = tpu.vector_load %arg6[%parallel_loop3A_237, %parallel_loop3A_238] {strides = array<i32>} : memref<128x128xf32, #tpu.memory_space<vmem>>, vector<16xf32>,
      tpu.vector_store %arg6[%parallel_loop3A_237, %parallel_loop3A_238], %parallel_loop3A_236 {strides = array<i32>} : memref<128x128xf32, #tpu.memory_space<vmem>>, vector<16xf32>,
      %parallel_loop3A_240 = arith.index_cast %parallel_loop3A_99 : i32 to index
      %parallel_loop3A_241 = arith.constant 112 : index
      %parallel_loop3A_242 = tpu.vector_load %arg4[%parallel_loop3A_240, %parallel_loop3A_241] {strides = array<i32>} : memref<128x128xf32, #tpu.memory_space<vmem>>, vector<16xf32>,
      %parallel_loop3A_243 = arith.constant 8.000000e+00 : f32
      %parallel_loop3A_244 = vector.broadcast %parallel_loop3A_243 : f32 to vector<16xf32>
      %parallel_loop3A_245 = arith.subf %parallel_loop3A_244, %parallel_loop3A_242 : vector<16xf32>
      %parallel_loop3A_246 = arith.constant 0.000000e+00 : f32
      %parallel_loop3A_247 = arith.constant 1.500000e+01 : f32
      %parallel_loop3A_248 = vector.broadcast %parallel_loop3A_246 : f32 to vector<16xf32>
      %parallel_loop3A_249 = arith.maximumf %parallel_loop3A_248, %parallel_loop3A_245 : vector<16xf32>
      %parallel_loop3A_250 = vector.broadcast %parallel_loop3A_247 : f32 to vector<16xf32>
      %parallel_loop3A_251 = arith.minimumf %parallel_loop3A_250, %parallel_loop3A_249 : vector<16xf32>
      %parallel_loop3A_252 = arith.fptosi %parallel_loop3A_251 : vector<16xf32> to vector<16xi32>
      %parallel_loop3A_253 = arith.sitofp %parallel_loop3A_252 : vector<16xi32> to vector<16xf32>
      %parallel_loop3A_254 = arith.constant 7.500000e+00 : f32
      %parallel_loop3A_255 = vector.broadcast %parallel_loop3A_254 : f32 to vector<16xf32>
      %parallel_loop3A_256 = arith.subf %parallel_loop3A_255, %parallel_loop3A_253 : vector<16xf32>
      %parallel_loop3A_257 = arith.index_cast %parallel_loop3A_99 : i32 to index
      %parallel_loop3A_258 = arith.constant 112 : index
      %parallel_loop3A_259 = tpu.vector_load %arg6[%parallel_loop3A_257, %parallel_loop3A_258] {strides = array<i32>} : memref<128x128xf32, #tpu.memory_space<vmem>>, vector<16xf32>,
      tpu.vector_store %arg6[%parallel_loop3A_257, %parallel_loop3A_258], %parallel_loop3A_256 {strides = array<i32>} : memref<128x128xf32, #tpu.memory_space<vmem>>, vector<16xf32>,
    } {sc.loop_unroll_factor = 1 : i64, sc.parallel_access}
    %add3A_66 = arith.constant 256 : i32
    %add3A_67 = arith.addi %mul3A_2, %add3A_66 : i32
    %multiple_of3A_68 = tpu.assume_multiple %add3A_67, 128 : i32
    %dma_start3A_69 = arith.constant 0 : i32
    %dma_start3A_70 = tpu.memref_slice %arg3[%multiple_of3A_68, %dma_start3A_69] : memref<16384x128xf32, #tpu.memory_space<hbm>> -> memref<128x128xf32, #tpu.memory_space<hbm>>
    %dma_start3A_71 = arith.constant 0 : i32
    %dma_start3A_72 = tpu.memref_slice %arg3[%multiple_of3A_68, %dma_start3A_71] : memref<16384x128xf32, #tpu.memory_space<hbm>> -> memref<128x128xf32, #tpu.memory_space<hbm>>
    tpu.enqueue_dma source(%arg6 : memref<128x128xf32, #tpu.memory_space<vmem>>) target(%dma_start3A_72 : memref<128x128xf32, #tpu.memory_space<hbm>>) target_semaphore(%arg10 : memref<!tpu.dma_semaphore, #tpu.memory_space<semaphore_mem>>)
    %dma_wait3A_73 = arith.constant 0 : i32
    %dma_wait3A_74 = tpu.memref_slice %arg2[%multiple_of3A_50, %dma_wait3A_73] : memref<16384x128xf32, #tpu.memory_space<hbm>> -> memref<128x128xf32, #tpu.memory_space<hbm>>
    %dma_wait3A_75 = arith.constant 0 : i32
    %dma_wait3A_76 = tpu.memref_slice %arg2[%multiple_of3A_50, %dma_wait3A_75] : memref<16384x128xf32, #tpu.memory_space<hbm>> -> memref<128x128xf32, #tpu.memory_space<hbm>>
    tpu.wait_dma2 semaphore(%arg9 : memref<!tpu.dma_semaphore, #tpu.memory_space<semaphore_mem>>) src(%dma_wait3A_76 : memref<128x128xf32, #tpu.memory_space<hbm>>) dst(%arg5 : memref<128x128xf32, #tpu.memory_space<vmem>>)
    %dma_wait3A_77 = arith.constant 0 : i32
    %dma_wait3A_78 = tpu.memref_slice %arg3[%multiple_of3A_43, %dma_wait3A_77] : memref<16384x128xf32, #tpu.memory_space<hbm>> -> memref<128x128xf32, #tpu.memory_space<hbm>>
    %dma_wait3A_79 = arith.constant 0 : i32
    %dma_wait3A_80 = tpu.memref_slice %arg3[%multiple_of3A_43, %dma_wait3A_79] : memref<16384x128xf32, #tpu.memory_space<hbm>> -> memref<128x128xf32, #tpu.memory_space<hbm>>
    tpu.wait_dma2 semaphore(%arg11 : memref<!tpu.dma_semaphore, #tpu.memory_space<semaphore_mem>>) src(%arg7 : memref<128x128xf32, #tpu.memory_space<vmem>>) dst(%dma_wait3A_80 : memref<128x128xf32, #tpu.memory_space<hbm>>)
    %parallel_loop3A_81 = arith.constant 0 : i32
    %parallel_loop3A_82 = arith.constant 128 : i32
    %parallel_loop3A_83 = arith.constant 1 : i32
    scf.for %parallel_loop3A_99 = %parallel_loop3A_81 to %parallel_loop3A_82 step %parallel_loop3A_83  : i32 {
      %parallel_loop3A_100 = arith.index_cast %parallel_loop3A_99 : i32 to index
      %parallel_loop3A_101 = arith.constant 0 : index
      %parallel_loop3A_102 = tpu.vector_load %arg5[%parallel_loop3A_100, %parallel_loop3A_101] {strides = array<i32>} : memref<128x128xf32, #tpu.memory_space<vmem>>, vector<16xf32>,
      %parallel_loop3A_103 = arith.constant 8.000000e+00 : f32
      %parallel_loop3A_104 = vector.broadcast %parallel_loop3A_103 : f32 to vector<16xf32>
      %parallel_loop3A_105 = arith.subf %parallel_loop3A_104, %parallel_loop3A_102 : vector<16xf32>
      %parallel_loop3A_106 = arith.constant 0.000000e+00 : f32
      %parallel_loop3A_107 = arith.constant 1.500000e+01 : f32
      %parallel_loop3A_108 = vector.broadcast %parallel_loop3A_106 : f32 to vector<16xf32>
      %parallel_loop3A_109 = arith.maximumf %parallel_loop3A_108, %parallel_loop3A_105 : vector<16xf32>
      %parallel_loop3A_110 = vector.broadcast %parallel_loop3A_107 : f32 to vector<16xf32>
      %parallel_loop3A_111 = arith.minimumf %parallel_loop3A_110, %parallel_loop3A_109 : vector<16xf32>
      %parallel_loop3A_112 = arith.fptosi %parallel_loop3A_111 : vector<16xf32> to vector<16xi32>
      %parallel_loop3A_113 = arith.sitofp %parallel_loop3A_112 : vector<16xi32> to vector<16xf32>
      %parallel_loop3A_114 = arith.constant 7.500000e+00 : f32
      %parallel_loop3A_115 = vector.broadcast %parallel_loop3A_114 : f32 to vector<16xf32>
      %parallel_loop3A_116 = arith.subf %parallel_loop3A_115, %parallel_loop3A_113 : vector<16xf32>
      %parallel_loop3A_117 = arith.index_cast %parallel_loop3A_99 : i32 to index
      %parallel_loop3A_118 = arith.constant 0 : index
      %parallel_loop3A_119 = tpu.vector_load %arg7[%parallel_loop3A_117, %parallel_loop3A_118] {strides = array<i32>} : memref<128x128xf32, #tpu.memory_space<vmem>>, vector<16xf32>,
      tpu.vector_store %arg7[%parallel_loop3A_117, %parallel_loop3A_118], %parallel_loop3A_116 {strides = array<i32>} : memref<128x128xf32, #tpu.memory_space<vmem>>, vector<16xf32>,
      %parallel_loop3A_120 = arith.index_cast %parallel_loop3A_99 : i32 to index
      %parallel_loop3A_121 = arith.constant 16 : index
      %parallel_loop3A_122 = tpu.vector_load %arg5[%parallel_loop3A_120, %parallel_loop3A_121] {strides = array<i32>} : memref<128x128xf32, #tpu.memory_space<vmem>>, vector<16xf32>,
      %parallel_loop3A_123 = arith.constant 8.000000e+00 : f32
      %parallel_loop3A_124 = vector.broadcast %parallel_loop3A_123 : f32 to vector<16xf32>
      %parallel_loop3A_125 = arith.subf %parallel_loop3A_124, %parallel_loop3A_122 : vector<16xf32>
      %parallel_loop3A_126 = arith.constant 0.000000e+00 : f32
      %parallel_loop3A_127 = arith.constant 1.500000e+01 : f32
      %parallel_loop3A_128 = vector.broadcast %parallel_loop3A_126 : f32 to vector<16xf32>
      %parallel_loop3A_129 = arith.maximumf %parallel_loop3A_128, %parallel_loop3A_125 : vector<16xf32>
      %parallel_loop3A_130 = vector.broadcast %parallel_loop3A_127 : f32 to vector<16xf32>
      %parallel_loop3A_131 = arith.minimumf %parallel_loop3A_130, %parallel_loop3A_129 : vector<16xf32>
      %parallel_loop3A_132 = arith.fptosi %parallel_loop3A_131 : vector<16xf32> to vector<16xi32>
      %parallel_loop3A_133 = arith.sitofp %parallel_loop3A_132 : vector<16xi32> to vector<16xf32>
      %parallel_loop3A_134 = arith.constant 7.500000e+00 : f32
      %parallel_loop3A_135 = vector.broadcast %parallel_loop3A_134 : f32 to vector<16xf32>
      %parallel_loop3A_136 = arith.subf %parallel_loop3A_135, %parallel_loop3A_133 : vector<16xf32>
      %parallel_loop3A_137 = arith.index_cast %parallel_loop3A_99 : i32 to index
      %parallel_loop3A_138 = arith.constant 16 : index
      %parallel_loop3A_139 = tpu.vector_load %arg7[%parallel_loop3A_137, %parallel_loop3A_138] {strides = array<i32>} : memref<128x128xf32, #tpu.memory_space<vmem>>, vector<16xf32>,
      tpu.vector_store %arg7[%parallel_loop3A_137, %parallel_loop3A_138], %parallel_loop3A_136 {strides = array<i32>} : memref<128x128xf32, #tpu.memory_space<vmem>>, vector<16xf32>,
      %parallel_loop3A_140 = arith.index_cast %parallel_loop3A_99 : i32 to index
      %parallel_loop3A_141 = arith.constant 32 : index
      %parallel_loop3A_142 = tpu.vector_load %arg5[%parallel_loop3A_140, %parallel_loop3A_141] {strides = array<i32>} : memref<128x128xf32, #tpu.memory_space<vmem>>, vector<16xf32>,
      %parallel_loop3A_143 = arith.constant 8.000000e+00 : f32
      %parallel_loop3A_144 = vector.broadcast %parallel_loop3A_143 : f32 to vector<16xf32>
      %parallel_loop3A_145 = arith.subf %parallel_loop3A_144, %parallel_loop3A_142 : vector<16xf32>
      %parallel_loop3A_146 = arith.constant 0.000000e+00 : f32
      %parallel_loop3A_147 = arith.constant 1.500000e+01 : f32
      %parallel_loop3A_148 = vector.broadcast %parallel_loop3A_146 : f32 to vector<16xf32>
      %parallel_loop3A_149 = arith.maximumf %parallel_loop3A_148, %parallel_loop3A_145 : vector<16xf32>
      %parallel_loop3A_150 = vector.broadcast %parallel_loop3A_147 : f32 to vector<16xf32>
      %parallel_loop3A_151 = arith.minimumf %parallel_loop3A_150, %parallel_loop3A_149 : vector<16xf32>
      %parallel_loop3A_152 = arith.fptosi %parallel_loop3A_151 : vector<16xf32> to vector<16xi32>
      %parallel_loop3A_153 = arith.sitofp %parallel_loop3A_152 : vector<16xi32> to vector<16xf32>
      %parallel_loop3A_154 = arith.constant 7.500000e+00 : f32
      %parallel_loop3A_155 = vector.broadcast %parallel_loop3A_154 : f32 to vector<16xf32>
      %parallel_loop3A_156 = arith.subf %parallel_loop3A_155, %parallel_loop3A_153 : vector<16xf32>
      %parallel_loop3A_157 = arith.index_cast %parallel_loop3A_99 : i32 to index
      %parallel_loop3A_158 = arith.constant 32 : index
      %parallel_loop3A_159 = tpu.vector_load %arg7[%parallel_loop3A_157, %parallel_loop3A_158] {strides = array<i32>} : memref<128x128xf32, #tpu.memory_space<vmem>>, vector<16xf32>,
      tpu.vector_store %arg7[%parallel_loop3A_157, %parallel_loop3A_158], %parallel_loop3A_156 {strides = array<i32>} : memref<128x128xf32, #tpu.memory_space<vmem>>, vector<16xf32>,
      %parallel_loop3A_160 = arith.index_cast %parallel_loop3A_99 : i32 to index
      %parallel_loop3A_161 = arith.constant 48 : index
      %parallel_loop3A_162 = tpu.vector_load %arg5[%parallel_loop3A_160, %parallel_loop3A_161] {strides = array<i32>} : memref<128x128xf32, #tpu.memory_space<vmem>>, vector<16xf32>,
      %parallel_loop3A_163 = arith.constant 8.000000e+00 : f32
      %parallel_loop3A_164 = vector.broadcast %parallel_loop3A_163 : f32 to vector<16xf32>
      %parallel_loop3A_165 = arith.subf %parallel_loop3A_164, %parallel_loop3A_162 : vector<16xf32>
      %parallel_loop3A_166 = arith.constant 0.000000e+00 : f32
      %parallel_loop3A_167 = arith.constant 1.500000e+01 : f32
      %parallel_loop3A_168 = vector.broadcast %parallel_loop3A_166 : f32 to vector<16xf32>
      %parallel_loop3A_169 = arith.maximumf %parallel_loop3A_168, %parallel_loop3A_165 : vector<16xf32>
      %parallel_loop3A_170 = vector.broadcast %parallel_loop3A_167 : f32 to vector<16xf32>
      %parallel_loop3A_171 = arith.minimumf %parallel_loop3A_170, %parallel_loop3A_169 : vector<16xf32>
      %parallel_loop3A_172 = arith.fptosi %parallel_loop3A_171 : vector<16xf32> to vector<16xi32>
      %parallel_loop3A_173 = arith.sitofp %parallel_loop3A_172 : vector<16xi32> to vector<16xf32>
      %parallel_loop3A_174 = arith.constant 7.500000e+00 : f32
      %parallel_loop3A_175 = vector.broadcast %parallel_loop3A_174 : f32 to vector<16xf32>
      %parallel_loop3A_176 = arith.subf %parallel_loop3A_175, %parallel_loop3A_173 : vector<16xf32>
      %parallel_loop3A_177 = arith.index_cast %parallel_loop3A_99 : i32 to index
      %parallel_loop3A_178 = arith.constant 48 : index
      %parallel_loop3A_179 = tpu.vector_load %arg7[%parallel_loop3A_177, %parallel_loop3A_178] {strides = array<i32>} : memref<128x128xf32, #tpu.memory_space<vmem>>, vector<16xf32>,
      tpu.vector_store %arg7[%parallel_loop3A_177, %parallel_loop3A_178], %parallel_loop3A_176 {strides = array<i32>} : memref<128x128xf32, #tpu.memory_space<vmem>>, vector<16xf32>,
      %parallel_loop3A_180 = arith.index_cast %parallel_loop3A_99 : i32 to index
      %parallel_loop3A_181 = arith.constant 64 : index
      %parallel_loop3A_182 = tpu.vector_load %arg5[%parallel_loop3A_180, %parallel_loop3A_181] {strides = array<i32>} : memref<128x128xf32, #tpu.memory_space<vmem>>, vector<16xf32>,
      %parallel_loop3A_183 = arith.constant 8.000000e+00 : f32
      %parallel_loop3A_184 = vector.broadcast %parallel_loop3A_183 : f32 to vector<16xf32>
      %parallel_loop3A_185 = arith.subf %parallel_loop3A_184, %parallel_loop3A_182 : vector<16xf32>
      %parallel_loop3A_186 = arith.constant 0.000000e+00 : f32
      %parallel_loop3A_187 = arith.constant 1.500000e+01 : f32
      %parallel_loop3A_188 = vector.broadcast %parallel_loop3A_186 : f32 to vector<16xf32>
      %parallel_loop3A_189 = arith.maximumf %parallel_loop3A_188, %parallel_loop3A_185 : vector<16xf32>
      %parallel_loop3A_190 = vector.broadcast %parallel_loop3A_187 : f32 to vector<16xf32>
      %parallel_loop3A_191 = arith.minimumf %parallel_loop3A_190, %parallel_loop3A_189 : vector<16xf32>
      %parallel_loop3A_192 = arith.fptosi %parallel_loop3A_191 : vector<16xf32> to vector<16xi32>
      %parallel_loop3A_193 = arith.sitofp %parallel_loop3A_192 : vector<16xi32> to vector<16xf32>
      %parallel_loop3A_194 = arith.constant 7.500000e+00 : f32
      %parallel_loop3A_195 = vector.broadcast %parallel_loop3A_194 : f32 to vector<16xf32>
      %parallel_loop3A_196 = arith.subf %parallel_loop3A_195, %parallel_loop3A_193 : vector<16xf32>
      %parallel_loop3A_197 = arith.index_cast %parallel_loop3A_99 : i32 to index
      %parallel_loop3A_198 = arith.constant 64 : index
      %parallel_loop3A_199 = tpu.vector_load %arg7[%parallel_loop3A_197, %parallel_loop3A_198] {strides = array<i32>} : memref<128x128xf32, #tpu.memory_space<vmem>>, vector<16xf32>,
      tpu.vector_store %arg7[%parallel_loop3A_197, %parallel_loop3A_198], %parallel_loop3A_196 {strides = array<i32>} : memref<128x128xf32, #tpu.memory_space<vmem>>, vector<16xf32>,
      %parallel_loop3A_200 = arith.index_cast %parallel_loop3A_99 : i32 to index
      %parallel_loop3A_201 = arith.constant 80 : index
      %parallel_loop3A_202 = tpu.vector_load %arg5[%parallel_loop3A_200, %parallel_loop3A_201] {strides = array<i32>} : memref<128x128xf32, #tpu.memory_space<vmem>>, vector<16xf32>,
      %parallel_loop3A_203 = arith.constant 8.000000e+00 : f32
      %parallel_loop3A_204 = vector.broadcast %parallel_loop3A_203 : f32 to vector<16xf32>
      %parallel_loop3A_205 = arith.subf %parallel_loop3A_204, %parallel_loop3A_202 : vector<16xf32>
      %parallel_loop3A_206 = arith.constant 0.000000e+00 : f32
      %parallel_loop3A_207 = arith.constant 1.500000e+01 : f32
      %parallel_loop3A_208 = vector.broadcast %parallel_loop3A_206 : f32 to vector<16xf32>
      %parallel_loop3A_209 = arith.maximumf %parallel_loop3A_208, %parallel_loop3A_205 : vector<16xf32>
      %parallel_loop3A_210 = vector.broadcast %parallel_loop3A_207 : f32 to vector<16xf32>
      %parallel_loop3A_211 = arith.minimumf %parallel_loop3A_210, %parallel_loop3A_209 : vector<16xf32>
      %parallel_loop3A_212 = arith.fptosi %parallel_loop3A_211 : vector<16xf32> to vector<16xi32>
      %parallel_loop3A_213 = arith.sitofp %parallel_loop3A_212 : vector<16xi32> to vector<16xf32>
      %parallel_loop3A_214 = arith.constant 7.500000e+00 : f32
      %parallel_loop3A_215 = vector.broadcast %parallel_loop3A_214 : f32 to vector<16xf32>
      %parallel_loop3A_216 = arith.subf %parallel_loop3A_215, %parallel_loop3A_213 : vector<16xf32>
      %parallel_loop3A_217 = arith.index_cast %parallel_loop3A_99 : i32 to index
      %parallel_loop3A_218 = arith.constant 80 : index
      %parallel_loop3A_219 = tpu.vector_load %arg7[%parallel_loop3A_217, %parallel_loop3A_218] {strides = array<i32>} : memref<128x128xf32, #tpu.memory_space<vmem>>, vector<16xf32>,
      tpu.vector_store %arg7[%parallel_loop3A_217, %parallel_loop3A_218], %parallel_loop3A_216 {strides = array<i32>} : memref<128x128xf32, #tpu.memory_space<vmem>>, vector<16xf32>,
      %parallel_loop3A_220 = arith.index_cast %parallel_loop3A_99 : i32 to index
      %parallel_loop3A_221 = arith.constant 96 : index
      %parallel_loop3A_222 = tpu.vector_load %arg5[%parallel_loop3A_220, %parallel_loop3A_221] {strides = array<i32>} : memref<128x128xf32, #tpu.memory_space<vmem>>, vector<16xf32>,
      %parallel_loop3A_223 = arith.constant 8.000000e+00 : f32
      %parallel_loop3A_224 = vector.broadcast %parallel_loop3A_223 : f32 to vector<16xf32>
      %parallel_loop3A_225 = arith.subf %parallel_loop3A_224, %parallel_loop3A_222 : vector<16xf32>
      %parallel_loop3A_226 = arith.constant 0.000000e+00 : f32
      %parallel_loop3A_227 = arith.constant 1.500000e+01 : f32
      %parallel_loop3A_228 = vector.broadcast %parallel_loop3A_226 : f32 to vector<16xf32>
      %parallel_loop3A_229 = arith.maximumf %parallel_loop3A_228, %parallel_loop3A_225 : vector<16xf32>
      %parallel_loop3A_230 = vector.broadcast %parallel_loop3A_227 : f32 to vector<16xf32>
      %parallel_loop3A_231 = arith.minimumf %parallel_loop3A_230, %parallel_loop3A_229 : vector<16xf32>
      %parallel_loop3A_232 = arith.fptosi %parallel_loop3A_231 : vector<16xf32> to vector<16xi32>
      %parallel_loop3A_233 = arith.sitofp %parallel_loop3A_232 : vector<16xi32> to vector<16xf32>
      %parallel_loop3A_234 = arith.constant 7.500000e+00 : f32
      %parallel_loop3A_235 = vector.broadcast %parallel_loop3A_234 : f32 to vector<16xf32>
      %parallel_loop3A_236 = arith.subf %parallel_loop3A_235, %parallel_loop3A_233 : vector<16xf32>
      %parallel_loop3A_237 = arith.index_cast %parallel_loop3A_99 : i32 to index
      %parallel_loop3A_238 = arith.constant 96 : index
      %parallel_loop3A_239 = tpu.vector_load %arg7[%parallel_loop3A_237, %parallel_loop3A_238] {strides = array<i32>} : memref<128x128xf32, #tpu.memory_space<vmem>>, vector<16xf32>,
      tpu.vector_store %arg7[%parallel_loop3A_237, %parallel_loop3A_238], %parallel_loop3A_236 {strides = array<i32>} : memref<128x128xf32, #tpu.memory_space<vmem>>, vector<16xf32>,
      %parallel_loop3A_240 = arith.index_cast %parallel_loop3A_99 : i32 to index
      %parallel_loop3A_241 = arith.constant 112 : index
      %parallel_loop3A_242 = tpu.vector_load %arg5[%parallel_loop3A_240, %parallel_loop3A_241] {strides = array<i32>} : memref<128x128xf32, #tpu.memory_space<vmem>>, vector<16xf32>,
      %parallel_loop3A_243 = arith.constant 8.000000e+00 : f32
      %parallel_loop3A_244 = vector.broadcast %parallel_loop3A_243 : f32 to vector<16xf32>
      %parallel_loop3A_245 = arith.subf %parallel_loop3A_244, %parallel_loop3A_242 : vector<16xf32>
      %parallel_loop3A_246 = arith.constant 0.000000e+00 : f32
      %parallel_loop3A_247 = arith.constant 1.500000e+01 : f32
      %parallel_loop3A_248 = vector.broadcast %parallel_loop3A_246 : f32 to vector<16xf32>
      %parallel_loop3A_249 = arith.maximumf %parallel_loop3A_248, %parallel_loop3A_245 : vector<16xf32>
      %parallel_loop3A_250 = vector.broadcast %parallel_loop3A_247 : f32 to vector<16xf32>
      %parallel_loop3A_251 = arith.minimumf %parallel_loop3A_250, %parallel_loop3A_249 : vector<16xf32>
      %parallel_loop3A_252 = arith.fptosi %parallel_loop3A_251 : vector<16xf32> to vector<16xi32>
      %parallel_loop3A_253 = arith.sitofp %parallel_loop3A_252 : vector<16xi32> to vector<16xf32>
      %parallel_loop3A_254 = arith.constant 7.500000e+00 : f32
      %parallel_loop3A_255 = vector.broadcast %parallel_loop3A_254 : f32 to vector<16xf32>
      %parallel_loop3A_256 = arith.subf %parallel_loop3A_255, %parallel_loop3A_253 : vector<16xf32>
      %parallel_loop3A_257 = arith.index_cast %parallel_loop3A_99 : i32 to index
      %parallel_loop3A_258 = arith.constant 112 : index
      %parallel_loop3A_259 = tpu.vector_load %arg7[%parallel_loop3A_257, %parallel_loop3A_258] {strides = array<i32>} : memref<128x128xf32, #tpu.memory_space<vmem>>, vector<16xf32>,
      tpu.vector_store %arg7[%parallel_loop3A_257, %parallel_loop3A_258], %parallel_loop3A_256 {strides = array<i32>} : memref<128x128xf32, #tpu.memory_space<vmem>>, vector<16xf32>,
    } {sc.loop_unroll_factor = 1 : i64, sc.parallel_access}
    %add3A_84 = arith.constant 384 : i32
    %add3A_85 = arith.addi %mul3A_2, %add3A_84 : i32
    %multiple_of3A_86 = tpu.assume_multiple %add3A_85, 128 : i32
    %dma_start3A_87 = arith.constant 0 : i32
    %dma_start3A_88 = tpu.memref_slice %arg3[%multiple_of3A_86, %dma_start3A_87] : memref<16384x128xf32, #tpu.memory_space<hbm>> -> memref<128x128xf32, #tpu.memory_space<hbm>>
    %dma_start3A_89 = arith.constant 0 : i32
    %dma_start3A_90 = tpu.memref_slice %arg3[%multiple_of3A_86, %dma_start3A_89] : memref<16384x128xf32, #tpu.memory_space<hbm>> -> memref<128x128xf32, #tpu.memory_space<hbm>>
    tpu.enqueue_dma source(%arg7 : memref<128x128xf32, #tpu.memory_space<vmem>>) target(%dma_start3A_90 : memref<128x128xf32, #tpu.memory_space<hbm>>) target_semaphore(%arg11 : memref<!tpu.dma_semaphore, #tpu.memory_space<semaphore_mem>>)
    %dma_wait3A_91 = arith.constant 0 : i32
    %dma_wait3A_92 = tpu.memref_slice %arg3[%multiple_of3A_68, %dma_wait3A_91] : memref<16384x128xf32, #tpu.memory_space<hbm>> -> memref<128x128xf32, #tpu.memory_space<hbm>>
    %dma_wait3A_93 = arith.constant 0 : i32
    %dma_wait3A_94 = tpu.memref_slice %arg3[%multiple_of3A_68, %dma_wait3A_93] : memref<16384x128xf32, #tpu.memory_space<hbm>> -> memref<128x128xf32, #tpu.memory_space<hbm>>
    tpu.wait_dma2 semaphore(%arg10 : memref<!tpu.dma_semaphore, #tpu.memory_space<semaphore_mem>>) src(%arg6 : memref<128x128xf32, #tpu.memory_space<vmem>>) dst(%dma_wait3A_94 : memref<128x128xf32, #tpu.memory_space<hbm>>)
    %dma_wait3A_95 = arith.constant 0 : i32
    %dma_wait3A_96 = tpu.memref_slice %arg3[%multiple_of3A_86, %dma_wait3A_95] : memref<16384x128xf32, #tpu.memory_space<hbm>> -> memref<128x128xf32, #tpu.memory_space<hbm>>
    %dma_wait3A_97 = arith.constant 0 : i32
    %dma_wait3A_98 = tpu.memref_slice %arg3[%multiple_of3A_86, %dma_wait3A_97] : memref<16384x128xf32, #tpu.memory_space<hbm>> -> memref<128x128xf32, #tpu.memory_space<hbm>>
    tpu.wait_dma2 semaphore(%arg11 : memref<!tpu.dma_semaphore, #tpu.memory_space<semaphore_mem>>) src(%arg7 : memref<128x128xf32, #tpu.memory_space<vmem>>) dst(%dma_wait3A_98 : memref<128x128xf32, #tpu.memory_space<hbm>>)
    return
  }
}

module attributes {stable_mosaic.version = 14 : i64} {
  func.func @_idx_body(%arg0: i32, %arg1: memref<16384x128xf32, #tpu.memory_space<any>>, %arg2: memref<2048x128xi8, #tpu.memory_space<vmem>>, %arg3: memref<2x2048x128xf32, #tpu.memory_space<vmem>>, %arg4: memref<2x!tpu.dma_semaphore, #tpu.memory_space<semaphore_mem>>) attributes {dimension_semantics = [#tpu.dimension_semantics<arbitrary>], iteration_bounds = array<i64: 8>, scalar_prefetch = 0 : i64, scratch_operands = 2 : i64, tpu.core_type = #tpu.core_type<tc>, window_params = [{}, {transform_indices = @transform_1, window_bounds = array<i64: 2048, 128>}]} {
    %eq3A = arith.constant 0 : i32
    %eq3A_0 = arith.cmpi eq, %arg0, %eq3A : i32
    %convert_element_type3A = arith.extui %eq3A_0 : i1 to i32
    %cond3A = arith.constant 0 : i32
    %cond3A_1 = arith.cmpi ne, %convert_element_type3A, %cond3A : i32
    scf.if %cond3A_1 {
      %dma_start3A = arith.constant 0 : i32
      %dma_start3A_75 = arith.constant 0 : i32
      %dma_start3A_76 = tpu.memref_slice %arg4[%dma_start3A_75] : memref<2x!tpu.dma_semaphore, #tpu.memory_space<semaphore_mem>> -> memref<1x!tpu.dma_semaphore, #tpu.memory_space<semaphore_mem>>
      %dma_start3A_77 = tpu.memref_squeeze %dma_start3A_76 : memref<1x!tpu.dma_semaphore, #tpu.memory_space<semaphore_mem>> -> memref<!tpu.dma_semaphore, #tpu.memory_space<semaphore_mem>>
      %dma_start3A_78 = arith.constant 0 : i32
      %dma_start3A_79 = arith.constant 0 : i32
      %dma_start3A_80 = tpu.memref_slice %arg3[%dma_start3A, %dma_start3A_78, %dma_start3A_79] : memref<2x2048x128xf32, #tpu.memory_space<vmem>> -> memref<1x2048x128xf32, #tpu.memory_space<vmem>>
      %dma_start3A_81 = tpu.memref_squeeze %dma_start3A_80 : memref<1x2048x128xf32, #tpu.memory_space<vmem>> -> memref<2048x128xf32, #tpu.memory_space<vmem>>
      %dma_start3A_82 = arith.constant 0 : i32
      %dma_start3A_83 = arith.constant 0 : i32
      %dma_start3A_84 = tpu.memref_slice %arg1[%dma_start3A_82, %dma_start3A_83] : memref<16384x128xf32, #tpu.memory_space<any>> -> memref<2048x128xf32, #tpu.memory_space<any>>
      tpu.enqueue_dma source(%dma_start3A_84 : memref<2048x128xf32, #tpu.memory_space<any>>) target(%dma_start3A_81 : memref<2048x128xf32, #tpu.memory_space<vmem>>) target_semaphore(%dma_start3A_77 : memref<!tpu.dma_semaphore, #tpu.memory_space<semaphore_mem>>)
    } else {
    }
    %add3A = arith.constant 1 : i32
    %add3A_2 = arith.addi %arg0, %add3A : i32
    %lt3A = arith.constant 8 : i32
    %lt3A_3 = arith.cmpi slt, %add3A_2, %lt3A : i32
    %convert_element_type3A_4 = arith.extui %lt3A_3 : i1 to i32
    %cond3A_5 = arith.constant 0 : i32
    %cond3A_6 = arith.cmpi ne, %convert_element_type3A_4, %cond3A_5 : i32
    scf.if %cond3A_6 {
      %add3A_75 = arith.constant 1 : i32
      %add3A_76 = arith.addi %arg0, %add3A_75 : i32
      %mul3A_77 = arith.constant 2048 : i32
      %mul3A_78 = arith.muli %add3A_76, %mul3A_77 : i32
      %add3A_79 = arith.constant 1 : i32
      %add3A_80 = arith.addi %arg0, %add3A_79 : i32
      %jit3A_81 = arith.constant 2 : i32
      %eq3A_82 = arith.constant 0 : i32
      %eq3A_83 = arith.cmpi eq, %jit3A_81, %eq3A_82 : i32
      %jit3A_84 = arith.constant 1 : i32
      %select_n3A_85 = arith.select %eq3A_83, %jit3A_84, %jit3A_81 : i32
      %rem3A_86 = arith.remsi %add3A_80, %select_n3A_85 : i32
      %ne3A_87 = arith.constant 0 : i32
      %ne3A_88 = arith.cmpi ne, %rem3A_86, %ne3A_87 : i32
      %lt3A_89 = arith.constant 0 : i32
      %lt3A_90 = arith.cmpi slt, %rem3A_86, %lt3A_89 : i32
      %lt3A_91 = arith.constant 0 : i32
      %lt3A_92 = arith.cmpi slt, %select_n3A_85, %lt3A_91 : i32
      %ne3A_93 = arith.xori %lt3A_90, %lt3A_92 : i1
      %and3A_94 = arith.andi %ne3A_93, %ne3A_88 : i1
      %add3A_95 = arith.addi %rem3A_86, %select_n3A_85 : i32
      %select_n3A_96 = arith.select %and3A_94, %add3A_95, %rem3A_86 : i32
      %add3A_97 = arith.constant 1 : i32
      %add3A_98 = arith.addi %arg0, %add3A_97 : i32
      %jit3A_99 = arith.constant 2 : i32
      %eq3A_100 = arith.constant 0 : i32
      %eq3A_101 = arith.cmpi eq, %jit3A_99, %eq3A_100 : i32
      %jit3A_102 = arith.constant 1 : i32
      %select_n3A_103 = arith.select %eq3A_101, %jit3A_102, %jit3A_99 : i32
      %rem3A_104 = arith.remsi %add3A_98, %select_n3A_103 : i32
      %ne3A_105 = arith.constant 0 : i32
      %ne3A_106 = arith.cmpi ne, %rem3A_104, %ne3A_105 : i32
      %lt3A_107 = arith.constant 0 : i32
      %lt3A_108 = arith.cmpi slt, %rem3A_104, %lt3A_107 : i32
      %lt3A_109 = arith.constant 0 : i32
      %lt3A_110 = arith.cmpi slt, %select_n3A_103, %lt3A_109 : i32
      %ne3A_111 = arith.xori %lt3A_108, %lt3A_110 : i1
      %and3A_112 = arith.andi %ne3A_111, %ne3A_106 : i1
      %add3A_113 = arith.addi %rem3A_104, %select_n3A_103 : i32
      %select_n3A_114 = arith.select %and3A_112, %add3A_113, %rem3A_104 : i32
      %dma_start3A = tpu.memref_slice %arg4[%select_n3A_114] : memref<2x!tpu.dma_semaphore, #tpu.memory_space<semaphore_mem>> -> memref<1x!tpu.dma_semaphore, #tpu.memory_space<semaphore_mem>>
      %dma_start3A_115 = tpu.memref_squeeze %dma_start3A : memref<1x!tpu.dma_semaphore, #tpu.memory_space<semaphore_mem>> -> memref<!tpu.dma_semaphore, #tpu.memory_space<semaphore_mem>>
      %dma_start3A_116 = arith.constant 0 : i32
      %dma_start3A_117 = arith.constant 0 : i32
      %dma_start3A_118 = tpu.memref_slice %arg3[%select_n3A_96, %dma_start3A_116, %dma_start3A_117] : memref<2x2048x128xf32, #tpu.memory_space<vmem>> -> memref<1x2048x128xf32, #tpu.memory_space<vmem>>
      %dma_start3A_119 = tpu.memref_squeeze %dma_start3A_118 : memref<1x2048x128xf32, #tpu.memory_space<vmem>> -> memref<2048x128xf32, #tpu.memory_space<vmem>>
      %dma_start3A_120 = arith.constant 0 : i32
      %dma_start3A_121 = tpu.memref_slice %arg1[%mul3A_78, %dma_start3A_120] : memref<16384x128xf32, #tpu.memory_space<any>> -> memref<2048x128xf32, #tpu.memory_space<any>>
      tpu.enqueue_dma source(%dma_start3A_121 : memref<2048x128xf32, #tpu.memory_space<any>>) target(%dma_start3A_119 : memref<2048x128xf32, #tpu.memory_space<vmem>>) target_semaphore(%dma_start3A_115 : memref<!tpu.dma_semaphore, #tpu.memory_space<semaphore_mem>>)
    } else {
    }
    %mul3A = arith.constant 2048 : i32
    %mul3A_7 = arith.muli %arg0, %mul3A : i32
    %jit3A = arith.constant 2 : i32
    %eq3A_8 = arith.constant 0 : i32
    %eq3A_9 = arith.cmpi eq, %jit3A, %eq3A_8 : i32
    %jit3A_10 = arith.constant 1 : i32
    %select_n3A = arith.select %eq3A_9, %jit3A_10, %jit3A : i32
    %rem3A = arith.remsi %arg0, %select_n3A : i32
    %ne3A = arith.constant 0 : i32
    %ne3A_11 = arith.cmpi ne, %rem3A, %ne3A : i32
    %lt3A_12 = arith.constant 0 : i32
    %lt3A_13 = arith.cmpi slt, %rem3A, %lt3A_12 : i32
    %lt3A_14 = arith.constant 0 : i32
    %lt3A_15 = arith.cmpi slt, %select_n3A, %lt3A_14 : i32
    %ne3A_16 = arith.xori %lt3A_13, %lt3A_15 : i1
    %and3A = arith.andi %ne3A_16, %ne3A_11 : i1
    %add3A_17 = arith.addi %rem3A, %select_n3A : i32
    %select_n3A_18 = arith.select %and3A, %add3A_17, %rem3A : i32
    %jit3A_19 = arith.constant 2 : i32
    %eq3A_20 = arith.constant 0 : i32
    %eq3A_21 = arith.cmpi eq, %jit3A_19, %eq3A_20 : i32
    %jit3A_22 = arith.constant 1 : i32
    %select_n3A_23 = arith.select %eq3A_21, %jit3A_22, %jit3A_19 : i32
    %rem3A_24 = arith.remsi %arg0, %select_n3A_23 : i32
    %ne3A_25 = arith.constant 0 : i32
    %ne3A_26 = arith.cmpi ne, %rem3A_24, %ne3A_25 : i32
    %lt3A_27 = arith.constant 0 : i32
    %lt3A_28 = arith.cmpi slt, %rem3A_24, %lt3A_27 : i32
    %lt3A_29 = arith.constant 0 : i32
    %lt3A_30 = arith.cmpi slt, %select_n3A_23, %lt3A_29 : i32
    %ne3A_31 = arith.xori %lt3A_28, %lt3A_30 : i1
    %and3A_32 = arith.andi %ne3A_31, %ne3A_26 : i1
    %add3A_33 = arith.addi %rem3A_24, %select_n3A_23 : i32
    %select_n3A_34 = arith.select %and3A_32, %add3A_33, %rem3A_24 : i32
    %dma_wait3A = tpu.memref_slice %arg4[%select_n3A_34] : memref<2x!tpu.dma_semaphore, #tpu.memory_space<semaphore_mem>> -> memref<1x!tpu.dma_semaphore, #tpu.memory_space<semaphore_mem>>
    %dma_wait3A_35 = tpu.memref_squeeze %dma_wait3A : memref<1x!tpu.dma_semaphore, #tpu.memory_space<semaphore_mem>> -> memref<!tpu.dma_semaphore, #tpu.memory_space<semaphore_mem>>
    %dma_wait3A_36 = arith.constant 0 : i32
    %dma_wait3A_37 = arith.constant 0 : i32
    %dma_wait3A_38 = tpu.memref_slice %arg3[%select_n3A_18, %dma_wait3A_36, %dma_wait3A_37] : memref<2x2048x128xf32, #tpu.memory_space<vmem>> -> memref<1x2048x128xf32, #tpu.memory_space<vmem>>
    %dma_wait3A_39 = tpu.memref_squeeze %dma_wait3A_38 : memref<1x2048x128xf32, #tpu.memory_space<vmem>> -> memref<2048x128xf32, #tpu.memory_space<vmem>>
    %dma_wait3A_40 = arith.constant 0 : i32
    %dma_wait3A_41 = tpu.memref_slice %arg1[%mul3A_7, %dma_wait3A_40] : memref<16384x128xf32, #tpu.memory_space<any>> -> memref<2048x128xf32, #tpu.memory_space<any>>
    tpu.wait_dma2 semaphore(%dma_wait3A_35 : memref<!tpu.dma_semaphore, #tpu.memory_space<semaphore_mem>>) src(%dma_wait3A_41 : memref<2048x128xf32, #tpu.memory_space<any>>) dst(%dma_wait3A_39 : memref<2048x128xf32, #tpu.memory_space<vmem>>)
    %jit3A_42 = arith.constant 2 : i32
    %eq3A_43 = arith.constant 0 : i32
    %eq3A_44 = arith.cmpi eq, %jit3A_42, %eq3A_43 : i32
    %jit3A_45 = arith.constant 1 : i32
    %select_n3A_46 = arith.select %eq3A_44, %jit3A_45, %jit3A_42 : i32
    %rem3A_47 = arith.remsi %arg0, %select_n3A_46 : i32
    %ne3A_48 = arith.constant 0 : i32
    %ne3A_49 = arith.cmpi ne, %rem3A_47, %ne3A_48 : i32
    %lt3A_50 = arith.constant 0 : i32
    %lt3A_51 = arith.cmpi slt, %rem3A_47, %lt3A_50 : i32
    %lt3A_52 = arith.constant 0 : i32
    %lt3A_53 = arith.cmpi slt, %select_n3A_46, %lt3A_52 : i32
    %ne3A_54 = arith.xori %lt3A_51, %lt3A_53 : i1
    %and3A_55 = arith.andi %ne3A_54, %ne3A_49 : i1
    %add3A_56 = arith.addi %rem3A_47, %select_n3A_46 : i32
    %select_n3A_57 = arith.select %and3A_55, %add3A_56, %rem3A_47 : i32
    %get3A = arith.index_cast %select_n3A_57 : i32 to index
    %get3A_58 = arith.constant 0 : index
    %get3A_59 = arith.constant 0 : index
    %get3A_60 = vector.load %arg3[%get3A, %get3A_58, %get3A_59] : memref<2x2048x128xf32, #tpu.memory_space<vmem>>, vector<1x2048x128xf32>
    %get3A_61 = vector.shape_cast %get3A_60 : vector<1x2048x128xf32> to vector<2048x128xf32>
    %sub3A = arith.constant 8.000000e+00 : f32
    %sub3A_62 = vector.broadcast %sub3A : f32 to vector<2048x128xf32>
    %sub3A_63 = arith.subf %sub3A_62, %get3A_61 : vector<2048x128xf32>
    %jit3A_64 = arith.constant 0.000000e+00 : f32
    %jit3A_65 = arith.constant 1.500000e+01 : f32
    %max3A = vector.broadcast %jit3A_64 : f32 to vector<2048x128xf32>
    %max3A_66 = arith.maximumf %max3A, %sub3A_63 : vector<2048x128xf32>
    %min3A = vector.broadcast %jit3A_65 : f32 to vector<2048x128xf32>
    %min3A_67 = arith.minimumf %min3A, %max3A_66 : vector<2048x128xf32>
    %convert_element_type3A_68 = arith.fptosi %min3A_67 : vector<2048x128xf32> to vector<2048x128xi32>
    %sub3A_69 = arith.constant 15 : i32
    %sub3A_70 = vector.broadcast %sub3A_69 : i32 to vector<2048x128xi32>
    %sub3A_71 = arith.subi %sub3A_70, %convert_element_type3A_68 : vector<2048x128xi32>
    %convert_element_type3A_72 = arith.trunci %sub3A_71 : vector<2048x128xi32> to vector<2048x128xi8>
    %swap3A = arith.constant 0 : index
    %swap3A_73 = arith.constant 0 : index
    %swap3A_74 = vector.load %arg2[%swap3A, %swap3A_73] : memref<2048x128xi8, #tpu.memory_space<vmem>>, vector<2048x128xi8>
    tpu.vector_store %arg2[%swap3A, %swap3A_73], %convert_element_type3A_72 {strides = array<i32>} : memref<2048x128xi8, #tpu.memory_space<vmem>>, vector<2048x128xi8>,
    return
  }
  func.func @transform_1(%arg0: i32) -> (i32, i32) {
    %c0_i32 = arith.constant 0 : i32
    %c0_i32_0 = arith.constant 0 : i32
    return %arg0, %c0_i32 : i32, i32
  }
}

</mosaic_0001>

<sc_bundles>
// kernel: kernel.4.cloned.1.call-start
scs
__scs_entry_jumppad:
0x0: {  	(pc) =	sbr.rel $0x88, $3  }
0x1: {  	(tag) =	ssettag $0x0;
	lr =	simm.s32 $0x1  }
0x2: {  	[smem:$0x3FA0] =	sst lr;
	_ =	strace $0xD0000000  }
0x3: {  	_ = 	snop  }
0x4: {  	_ = 	snop  }
0x5: {  	_ = 	snop  }
0x6: {  	_ = 	snop  }
0x7: {  	_ = 	snop  }
__scs_overlays_trampoline_lowered:
0x8: {  	[smem:$0x3FAF] =	sst s0  }
0x9: {  	[smem:$0x3FB0] =	sst s1  }
0xa: {  	[smem:$0x3FB1] =	sst s2  }
0xb: {  	[smem:$0x3FB2] =	sst s3  }
0xc: {  	[smem:$0x3FB3] =	sst s4  }
0xd: {  	[smem:$0x3FB4] =	sst s5  }
0xe: {  	[smem:$0x3FB5] =	sst s6  }
0xf: {  	[smem:$0x3FB6] =	sst s7  }
0x10: {  	[smem:$0x3FB7] =	sst s8  }
0x11: {  	[smem:$0x3FB8] =	sst s9;
	s0 =	simm.s32 @!p0 $0x0  }
0x12: {  	s1 =	sld [smem:$0x3F9E];
	s0 =	simm.s32 @p0 $0x1  }
0x13: {  	[smem:$0x3FB9] =	sst s0;
	s0 =	simm.s32 @!p1 $0x0  }
0x14: {  	s2 =	sld [smem:$0x3F9D];
	s0 =	simm.s32 @p1 $0x1  }
0x15: {  	[smem:$0x3FBA] =	sst s0;
	s0 =	simm.s32 @!p2 $0x0  }
0x16: {  	s3 =	sld [smem:$0x3FDB];
	s0 =	simm.s32 @p2 $0x1  }
0x17: {  	s4 =	simm.s32 $0x1BF5;
	[smem:$0x3FBC] =	sst s0  }
0x18: {  	s0 =	sld [smem:$0x3F9F];
	_ =	swait.ge [sflag:s4], $0x0  }
0x19: {  	s7 =	sld [smem:$0x3FA0]  }
0x1a: {  	s8 =	sadd.s32 $0xFFFFE003, lr  }
0x1b: {  	s9 =	sadd.s32 $0xFFFFFEF7, lr;
	s5 =	simm.s32 $0xFFFFFFFF;
	p2 =	slt.u32 s8, $0xFFFFF086  }
0x1c: {  	p1 =	slt.u32 s9, $0xF7A;
	s5 =	simm.s32 @!p2 $0x0  }
0x1d: {  	s5 =	simm.s32 @p1 $0x1;
	p0 =	seq.s32 s7, s2  }
0x1e: {  	s7 =	smul.u32 @!p0 $0xF7A, s2;
	p2 =	seq.s32 @!p0 s5, $0x0  }
0x1f: {  	s9 =	smul.u32 $0xF7A, s1;
	s8 =	simm.s32 @!p0 $0x1BF5;
	p2 =	por !p2, p0  }
0x20: {  	[sflag:s8] =	ssyncset.s32 @!p0 $0xFFFFF086;
	s6 =	sadd.s32 @!p0 s3, s7;
	s7 =	simm.s32 @!p0 $0x108  }
0x21: {  	s3 =	sadd.s32 s3, s9;
	s6 =	sadd.s32 @!p0 $0x88, s6;
	s7 =	simm.s32 @p2 $0x1082  }
0x22: {  	[simem:s7], [sflag:s8] =	dma.local @!p0 [hbm:s6], $0xF7A  }
0x23: {  	s9 =	sor.u32 $0xD0000000, s2;
	s6 =	simm.s32 $0x108;
	_ =	swait.ge @!p0 [sflag:s8], $0x0  }
0x24: {  	s3 =	sadd.s32 $0x88, s3;
	s6 =	simm.s32 @!p1 $0x1082;
	[sflag:s4] =	ssyncset.s32 $0xFFFFF086  }
0x25: {  	[simem:s6], [sflag:s4] =	dma.local [hbm:s3], $0xF7A  }
0x26: {  	[smem:$0x3FA0] =	sst s1;
	(tag) =	ssettag s2;
	_ =	strace s9  }
0x27: {  	s1 =	sld [smem:$0x3FB0]  }
0x28: {  	s2 =	sld [smem:$0x3FB1]  }
0x29: {  	s4 =	sld [smem:$0x3FB3]  }
0x2a: {  	p0 =	seq.s32 s5, $0x0;
	s5 =	sld [smem:$0x3FB4]  }
0x2b: {  	s6 =	sld [smem:$0x3FB5]  }
0x2c: {  	s7 =	sld [smem:$0x3FB6]  }
0x2d: {  	s3 =	simm.s32 $0x108;
	s8 =	sld [smem:$0x3FB7]  }
0x2e: {  	s3 =	simm.s32 @!p0 $0x1082;
	s9 =	sld [smem:$0x3FB8]  }
0x2f: {  	lr =	sadd.s32 s0, s3;
	s0 =	sld [smem:$0x3FAF]  }
0x30: {  	s3 =	sld [smem:$0x3FB2]  }
0x31: {  	[smem:$0x3FBB] =	sst s10  }
0x32: {  	s10 =	sld [smem:$0x3FB9];
	_ =	sdelay $0x3  }
0x33: {  	p0 =	seq.s32 s10, $0x1;
	s10 =	sld [smem:$0x3FBB];
	_ =	sdelay $0x3  }
0x34: {  	[smem:$0x3FBB] =	sst s10  }
0x35: {  	s10 =	sld [smem:$0x3FBA];
	_ =	sdelay $0x3  }
0x36: {  	p1 =	seq.s32 s10, $0x1;
	s10 =	sld [smem:$0x3FBB];
	_ =	sdelay $0x3  }
0x37: {  	[smem:$0x3FBB] =	sst s10  }
0x38: {  	s10 =	sld [smem:$0x3FBC]  }
0x39: {  	_ = 	snop;
	(pc) =	sbr.ind lr, $3  }
0x3a: {  	_ = 	snop  }
0x3b: {  	_ = 	snop  }
0x3c: {  	p2 =	seq.s32 s10, $0x1;
	s10 =	sld [smem:$0x3FBB]  }
0x3d: {  	_ =	shalt  }
0x3e: {  	_ =	shalt  }
0x3f: {  	_ =	shalt  }
0x40: {  	_ =	shalt  }
0x41: {  	_ =	shalt  }
0x42: {  	_ =	shalt  }
0x43: {  	_ =	shalt  }
0x44: {  	_ =	shalt  }
0x45: {  	_ =	shalt  }
0x46: {  	_ =	shalt  }
0x47: {  	_ =	shalt  }
0x48: {  	_ =	shalt  }
0x49: {  	_ =	shalt  }
0x4a: {  	_ =	shalt  }
0x4b: {  	_ =	shalt  }
0x4c: {  	_ =	shalt  }
0x4d: {  	_ =	shalt  }
0x4e: {  	_ =	shalt  }
0x4f: {  	_ =	shalt  }
0x50: {  	_ =	shalt  }
0x51: {  	_ =	shalt  }
0x52: {  	_ =	shalt  }
0x53: {  	_ =	shalt  }
0x54: {  	_ =	shalt  }
0x55: {  	_ =	shalt  }
0x56: {  	_ =	shalt  }
0x57: {  	_ =	shalt  }
0x58: {  	_ =	shalt  }
0x59: {  	_ =	shalt  }
0x5a: {  	_ =	shalt  }
0x5b: {  	_ =	shalt  }
0x5c: {  	_ =	shalt  }
0x5d: {  	_ =	shalt  }
0x5e: {  	_ =	shalt  }
0x5f: {  	_ =	shalt  }
0x60: {  	_ =	shalt  }
0x61: {  	_ =	shalt  }
0x62: {  	_ =	shalt  }
0x63: {  	_ =	shalt  }
0x64: {  	_ =	shalt  }
0x65: {  	_ =	shalt  }
0x66: {  	_ =	shalt  }
0x67: {  	_ =	shalt  }
0x68: {  	_ =	shalt  }
0x69: {  	_ =	shalt  }
0x6a: {  	_ =	shalt  }
0x6b: {  	_ =	shalt  }
0x6c: {  	_ =	shalt  }
0x6d: {  	_ =	shalt  }
0x6e: {  	_ =	shalt  }
0x6f: {  	_ =	shalt  }
0x70: {  	_ =	shalt  }
0x71: {  	_ =	shalt  }
0x72: {  	_ =	shalt  }
0x73: {  	_ =	shalt  }
0x74: {  	_ =	shalt  }
0x75: {  	_ =	shalt  }
0x76: {  	_ =	shalt  }
0x77: {  	_ =	shalt  }
0x78: {  	_ =	shalt  }
0x79: {  	_ =	shalt  }
0x7a: {  	_ =	shalt  }
0x7b: {  	_ =	shalt  }
0x7c: {  	_ =	shalt  }
0x7d: {  	_ =	shalt  }
0x7e: {  	_ =	shalt  }
0x7f: {  	_ =	shalt  }
0x80: {  	_ =	shalt  }
0x81: {  	_ =	shalt  }
0x82: {  	_ =	shalt  }
0x83: {  	_ =	shalt  }
0x84: {  	_ =	shalt  }
0x85: {  	_ =	shalt  }
0x86: {  	_ =	shalt  }
0x87: {  	_ =	shalt  }
.Lfunc_end0:
.L_simem_size_0:
called_computation_lowered:
.L_overlay_start_0:
0x88: {  	s2 =	sld [smem:$0x3FD9]  }
0x89: {  	s3 =	sld [smem:$0x3FFE];
	_ =	sdelay $0x1  }
0x8a: {  	s1 =	srdreg.scid  }
0x8b: {  	s0 =	sand.u32 $0x1, s1  }
0x8c: {  	s15 =	sshll.u32 s0, $0xA;
	s2 =	sadd.s32 s3, s2  }
0x8d: {  	s2 =	sadd.s32 s2, s15  }
0x8e: {  	[smem:$0x3FC7] =	sst s2  }
0x8f: {  	_ = 	snop  }
0x90: {  	s2 =	sld [smem:$0x3FD0];
	_ =	sdelay $0x2  }
0x91: {  	s4 =	simm.s32 $0xA;
	s5 =	simm.s32 $0x10;
	s16 =	sld [smem:$0x3FC9]  }
0x92: {  	[smem:s5], [sflag:s4] =	dma.local [hbm:s2], $0x1  }
0x93: {  	_ =	swait.eq [sflag:s4], $0x1  }
0x94: {  	[sflag:s4] =	ssyncset.done $0x0  }
0x95: {  	[sflag:s4] =	ssyncadd.s32 $0xFFFFFFFF  }
0x96: {  	s17 =	sld [smem:$0x10];
	(tm) =	ssettm $0x1  }
0x97: {  	s18 =	sld [smem:$0x3FFB];
	_ =	sdelay $0x3  }
0x98: {  	_ =	strace s18  }
0x99: {  	s4 =	sld [smem:$0x3FFC];
	_ =	sdelay $0x3  }
0x9a: {  	_ =	strace s4  }
0x9b: {  	s4 =	sld [smem:$0x3FFD];
	_ =	sdelay $0x3  }
0x9c: {  	_ =	strace s4  }
0x9d: {  	_ =	strace $0x8FFFFFFF  }
0x9e: {  	s19 =	sld [smem:$0x3FDB];
	_ =	sdelay $0x1  }
0x9f: {  	s20 =	simm.s32 $_scs_section_size  }
0xa0: {  	s6 =	simm.s32 $_size__tile_overlayer_lowered;
	s7 =	simm.s32 $_tile_overlayer_lowered  }
0xa1: {  	s23 =	simm.s32 $0x1BFF;
	s22 =	sshll.u32 s7, $0x1;
	s4 =	sadd.s32 s20, s19  }
0xa2: {  	s8 =	simm.s32 $0x0;
	s21 =	sshll.u32 s6, $0x1;
	s6 =	sadd.s32 s22, s4  }
0xa3: {  	[timem:s8], [sflag:s23] =	dma.local [hbm:s6], s21  }
0xa4: {  	_ =	swait.ge [sflag:s23], s21  }
0xa5: {  	s5 =	ssub.s32 $0x0, s21;
	[sflag:s23] =	ssyncset.done $0x0  }
0xa6: {  	[sflag:s23] =	ssyncadd.s32 s5;
	_ =	sdelay $0x1  }
0xa7: {  	s24 =	simm.s32 $0x1B8B  }
0xa8: {  	_ =	swait.ge [sflag:s24], $0x1  }
0xa9: {  	[sflag:s24] =	ssyncset.done $0x0  }
0xaa: {  	s25 =	simm.s32 $0x1B8E;
	[sflag:s24] =	ssyncadd.s32 $0xFFFFFFFF  }
0xab: {  	s26 =	simm.s32 $execute0_lowered;
	[smem:$0x3FD2] =	sst s25  }
0xac: {  	s5 =	sshll.u32 s26, $0x1;
	_ =	strace $0x80000046;
	[dreg:$0x1] =	wrdreg $0xFFFFFFFF  }
0xad: {  	s28 =	simm.s32 $_size_execute0_lowered;
	s4 =	sadd.s32 s4, s5;
	[dreg:$0x0] =	wrdreg $0x0  }
0xae: {  	s5 =	sshll.u32 s28, $0x1;
	[dreg:$0x2] =	wrdreg s4  }
0xaf: {  	[dreg:$0x3] =	wrdreg s5  }
0xb0: {  	[dreg:$0x4] =	wrdreg $0xC0  }
0xb1: {  	_ =	task [dreg:s8], $0x5FFFF  }
0xb2: {  	[dreg:$0x1] =	wrdreg $0xFFFFFFFF  }
0xb3: {  	[dreg:$0x0] =	wrdreg $0x60  }
0xb4: {  	[dreg:$0x2] =	wrdreg s16  }
0xb5: {  	[dreg:$0x3] =	wrdreg s17  }
0xb6: {  	[dreg:$0x4] =	wrdreg $0x9  }
0xb7: {  	_ =	task.clear_ibuf [dreg:s8], $0x5FFFF;
	_ =	strace $0x90000046  }
0xb8: {  	s29 =	simm.s32 $0x9;
	_ =	strace $0x80000048  }
0xb9: {  	_ =	swait.ge [sflag:s29], $0x1  }
0xba: {  	[sflag:s29] =	ssyncadd.s32 $0xFFFFFFFF  }
0xbb: {  	_ =	strace $0x90000048  }
0xbc: {  	_ =	sfence  }
0xbd: {  	s30 =	sld [smem:$0x0];
	_ =	sdelay $0x2  }
0xbe: {  	s31 =	sshll.u32 s1, $0xD;
	s1 =	sshrl.u32 s1, $0x2  }
0xbf: {  	s3 =	sand.u32 $0x4000, s31;
	s1 =	sadd.s32 s1, s30  }
0xc0: {  	s0 =	sor.u32 s3, s0;
	s1 =	sshll.u32 s1, $0x11  }
0xc1: {  	s0 =	sor.u32 s1, s0  }
0xc2: {  	s0 =	sadd.s32 $0x8F2B, s0  }
0xc3: {  	[sflag:s0] =	ssyncadd.remote.s32 $0x1  }
0xc4: {  	_ =	sfence.sel $0xFFFF  }
0xc5: {  	[dreg:$0x0] =	wrdreg $0xFFFFFFFF;
	(pc) =	sbr.abs _section_cstart, $3  }
0xc6: {  	[dreg:$0x1] =	wrdreg $0xFFFFFFFF  }
0xc7: {  	_ =	task.clear_ibuf [dreg:s8], $0x2FFFF;
	_ =	strace $0x9FFFFFFF  }
0xc8: {  	(tm) =	ssettm $0x7FFFFFFF  }
0xc9: {  	_ =	shalt  }
tec
execute0_lowered:
.L_overlay_start_1:
0x0: {  	(tag) =	ssettag $0x1  }
0x1: {  	s8 =	rddreg [dreg:$0x0]  }
0x2: {  	s10 =	rddreg [dreg:$0x1]  }
0x3: {  	s0 =	rddreg [dreg:$0x2];
	s2 =	simm.s32 $0x0;
	s3 =	srdreg.scid  }
0x4: {  	s1 =	stileid.u32;
	s14 =	simm.s32 $0x8000;
	s15 =	simm.s32 $0x2  }
0x5: {  	s16 =	simm.s32 $0xC000;
	s17 =	simm.s32 $0x3;
	s18 =	simm.s32 $0x4  }
0x6: {  	s19 =	simm.s32 $0x0;
	[smem:$0x7FF] =	sst s2;
	s3 =	sand.u32 $0x1, s3  }
0x7: {  	s5 =	sshll.u32 s1, $0xE;
	s4 =	ssub.s32 $0x2, s3;
	s3 =	sshll.u32 s3, $0xD  }
0x8: {  	_ =	strace $0x80000047;
	s6 =	sshrl.u32 s4, $0x1;
	s9 =	sor.u32 s3, s5  }
0x9: {  	s11 =	ssub.s32 s4, s6;
	s3 =	sadd.s32 s8, s9;
	s7 =	sor.u32 $0x800, s9  }
0xa: {  	s5 =	sadd.s32 s10, s9;
	s12 =	sor.u32 $0x1000, s9;
	s13 =	sor.u32 $0x1800, s9  }
0xb: {  	s4 =	sadd.s32 s8, s7;
	s6 =	sadd.s32 s8, s12;
	s7 =	sadd.s32 s10, s7  }
0xc: {  	s8 =	sadd.s32 s8, s13;
	s9 =	sadd.s32 s10, s12;
	s10 =	sadd.s32 s10, s13  }
0xd: {  	s11 =	smax.u32 s11, $0x1;
	s12 =	simm.s32 $0x4000;
	s13 =	simm.s32 $0x1  }
.LBB2_1:
0xe: {  	[tilespmem:s2], [sflag:$0x1] =	stream.linear.gather [hbm4b:s3+s2], $0x4000, $0x38;
	[tilespmem:$0x10000] =	vst v63  }
0xf: {  	_ = 	snop  }
0x10: {  	[tilespmem:s12], [sflag:$0x2] =	stream.linear.gather [hbm4b:s4+s2], $0x4000, $0x38;
	[tilespmem:$0x10000] =	vst v63  }
0x11: {  	_ =	swait.ge [sflag:s13], $0x4000  }
0x12: {  	[sflag:s13] =	ssyncset.done $0x0  }
0x13: {  	s21 =	simm.s32 $0x0;
	[sflag:s13] =	ssyncadd.s32 $0xFFFFC000  }
0x14: {  	v0 =	vld [tilespmem:s21+$0x60]  }
0x15: {  	v1 =	vld [tilespmem:s21+$0x70]  }
0x16: {  	v2 =	vld [tilespmem:s21+$0x10]  }
0x17: {  	v4 =	vld [tilespmem:s21+$0x40]  }
0x18: {  	v5 =	vld [tilespmem:s21+$0x20]  }
0x19: {  	v3 =	vld [tilespmem:s21+$0x50]  }
0x1a: {  	s20 =	simm.s32 $0x80;
	v6 =	vld [tilespmem:s21+$0x0]  }
0x1b: {  	v9 =	vld [tilespmem:s20+$0x70];
	v1 =	vsub.f32 $8.000000000e+00, v1  }
0x1c: {  	v7 =	vld [tilespmem:s21+$0x30];
	v2 =	vsub.f32 $8.000000000e+00, v2;
	v0 =	vsub.f32 $8.000000000e+00, v0  }
0x1d: {  	v4 =	vsub.f32 $8.000000000e+00, v4;
	v5 =	vsub.f32 $8.000000000e+00, v5  }
0x1e: {  	v3 =	vsub.f32 $8.000000000e+00, v3;
	v2 =	vmax.f32 v2, $0.0e+00;
	v0 =	vmax.f32 v0, $0.0e+00  }
0x1f: {  	v4 =	vmax.f32 v4, $0.0e+00;
	v5 =	vmax.f32 v5, $0.0e+00;
	v1 =	vmax.f32 v1, $0.0e+00  }
0x20: {  	v13 =	vmax.f32 v3, $0.0e+00;
	v3 =	vsub.f32 $8.000000000e+00, v9;
	v0 =	vmin.f32 v0, $1.500000000e+01  }
0x21: {  	v8 =	vmin.f32 v4, $1.500000000e+01;
	v4 =	vsub.f32 $8.000000000e+00, v6;
	v6 =	vsub.f32 $8.000000000e+00, v7;
	v7 =	vld [tilespmem:s20+$0x60]  }
0x22: {  	v12 =	vld [tilespmem:s20+$0x40];
	v2 =	vmin.f32 v2, $1.500000000e+01;
	v5 =	vmin.f32 v5, $1.500000000e+01;
	v1 =	vmin.f32 v1, $1.500000000e+01  }
0x23: {  	v11 =	vld [tilespmem:s20+$0x50];
	v0 =	vtrunc.f32 v0;
	v5 =	vtrunc.f32 v5;
	v6 =	vmax.f32 v6, $0.0e+00  }
0x24: {  	v1 =	vtrunc.f32 v1;
	v5 =	vsub.f32 $7.500000000e+00, v5;
	v6 =	vmin.f32 v6, $1.500000000e+01  }
0x25: {  	v10 =	vld [tilespmem:s20+$0x10];
	v9 =	vmin.f32 v13, $1.500000000e+01;
	v2 =	vtrunc.f32 v2;
	v6 =	vtrunc.f32 v6  }
0x26: {  	v4 =	vmax.f32 v4, $0.0e+00;
	[tilespmem:s21+$0x8020] =	vst v5;
	v6 =	vsub.f32 $7.500000000e+00, v6;
	v5 =	vsub.f32 $8.000000000e+00, v7  }
0x27: {  	v15 =	vld [tilespmem:s20+$0x20];
	v0 =	vsub.f32 $7.500000000e+00, v0;
	v7 =	vtrunc.f32 v9;
	v9 =	vsub.f32 $8.000000000e+00, v12  }
0x28: {  	v14 =	vsub.f32 $7.500000000e+00, v1;
	v1 =	vsub.f32 $8.000000000e+00, v11;
	[tilespmem:s21+$0x8030] =	vst v6;
	v6 =	vmax.f32 v5, $0.0e+00;
	v5 =	vld [tilespmem:s20+$0x0]  }
0x29: {  	v4 =	vmin.f32 v4, $1.500000000e+01;
	v12 =	vmax.f32 v9, $0.0e+00;
	v9 =	vmin.f32 v6, $1.500000000e+01;
	v6 =	vld [tilespmem:s20+$0x30]  }
0x2a: {  	v11 =	vsub.f32 $7.500000000e+00, v2;
	v4 =	vtrunc.f32 v4;
	[tilespmem:s21+$0x8060] =	vst v0;
	v0 =	vsub.f32 $8.000000000e+00, v10  }
0x2b: {  	v8 =	vtrunc.f32 v8;
	[tilespmem:s21+$0x8070] =	vst v14;
	v4 =	vcvt.f32.s32 v4;
	v10 =	vsub.f32 $7.500000000e+00, v7  }
0x2c: {  	v8 =	vsub.f32 $7.500000000e+00, v8;
	[tilespmem:s21+$0x8010] =	vst v11;
	v0 =	vmax.f32 v0, $0.0e+00;
	v7 =	vsub.f32 $8.000000000e+00, v15  }
0x2d: {  	s22 =	simm.s32 $0x400;
	v4 =	vcvt.s32.f32 v4;
	v2 =	vmin.f32 v0, $1.500000000e+01;
	[tilespmem:s21+$0x8050] =	vst v10;
	v0 =	vmin.f32 v12, $1.500000000e+01  }
.LBB2_2:
0x2e: {  	s23 =	sshra.s32 s22, $0x2;
	p0 =	sne.s32 s22, $0xFE00;
	s22 =	sadd.s32 $0x200, s22;
	v5 =	vsub.f32 $8.000000000e+00, v5;
	v6 =	vsub.f32 $8.000000000e+00, v6;
	v9 =	vtrunc.f32 v9  }
0x2f: {  	v7 =	vmax.f32 v7, $0.0e+00;
	v3 =	vmax.f32 v3, $0.0e+00;
	v4 =	vsub.f32 $7.500000000e+00, v4;
	v10 =	vld [tilespmem:s23+$0x60];
	[tilespmem:s21+$0x8040] =	vst v8  }
0x30: {  	v7 =	vmin.f32 v7, $1.500000000e+01;
	v9 =	vsub.f32 $7.500000000e+00, v9;
	v8 =	vld [tilespmem:s23+$0x70];
	v5 =	vmax.f32 v5, $0.0e+00  }
0x31: {  	v7 =	vtrunc.f32 v7;
	v6 =	vmax.f32 v6, $0.0e+00;
	v11 =	vld [tilespmem:s23+$0x10];
	v5 =	vmin.f32 v5, $1.500000000e+01;
	[tilespmem:s21+$0x8000] =	vst v4;
	s21 =	smov.u32 s20;
	s20 =	smov.u32 s23  }
0x32: {  	v3 =	vmin.f32 v3, $1.500000000e+01;
	v7 =	vsub.f32 $7.500000000e+00, v7;
	v12 =	vld [tilespmem:s20+$0x50];
	v4 =	vtrunc.f32 v5;
	[tilespmem:s21+$0x8060] =	vst v9  }
0x33: {  	v3 =	vtrunc.f32 v3;
	v6 =	vmin.f32 v6, $1.500000000e+01;
	v9 =	vld [tilespmem:s20+$0x40];
	v4 =	vcvt.f32.s32 v4  }
0x34: {  	v1 =	vmax.f32 v1, $0.0e+00;
	v6 =	vtrunc.f32 v6;
	v5 =	vld [tilespmem:s20+$0x0];
	[tilespmem:s21+$0x8020] =	vst v7;
	v7 =	vsub.f32 $7.500000000e+00, v3  }
0x35: {  	v13 =	vld [tilespmem:s20+$0x20];
	v3 =	vsub.f32 $8.000000000e+00, v8;
	v4 =	vcvt.s32.f32 v4;
	v8 =	vsub.f32 $7.500000000e+00, v6  }
0x36: {  	v2 =	vtrunc.f32 v2;
	v14 =	vmin.f32 v1, $1.500000000e+01;
	v11 =	vsub.f32 $8.000000000e+00, v11;
	v6 =	vld [tilespmem:s20+$0x30];
	[tilespmem:s21+$0x8070] =	vst v7  }
.Ltmp0:
0x37: {  	v7 =	vsub.f32 $8.000000000e+00, v10;
	v1 =	vsub.f32 $8.000000000e+00, v12;
	[tilespmem:s21+$0x8030] =	vst v8;
	v8 =	vtrunc.f32 v14;
	(pc) =	sbr.rel @p0 .LBB2_2-.Ltmp0, $4  }
0x38: {  	v10 =	vmax.f32 v11, $0.0e+00;
	v9 =	vsub.f32 $8.000000000e+00, v9;
	v8 =	vsub.f32 $7.500000000e+00, v8  }
0x39: {  	v12 =	vsub.f32 $7.500000000e+00, v2;
	v14 =	vtrunc.f32 v0;
	v11 =	vmax.f32 v7, $0.0e+00  }
0x3a: {  	v7 =	vsub.f32 $8.000000000e+00, v13;
	v0 =	vmax.f32 v9, $0.0e+00;
	v9 =	vmin.f32 v11, $1.500000000e+01;
	[tilespmem:s21+$0x8050] =	vst v8  }
0x3b: {  	v2 =	vmin.f32 v10, $1.500000000e+01;
	v8 =	vsub.f32 $7.500000000e+00, v14;
	v0 =	vmin.f32 v0, $1.500000000e+01;
	[tilespmem:s21+$0x8010] =	vst v12  }
0x3c: {  	v5 =	vsub.f32 $8.000000000e+00, v5;
	v6 =	vsub.f32 $8.000000000e+00, v6  }
0x3d: {  	v9 =	vtrunc.f32 v9;
	v7 =	vmax.f32 v7, $0.0e+00;
	v3 =	vmax.f32 v3, $0.0e+00  }
0x3e: {  	v4 =	vsub.f32 $7.500000000e+00, v4;
	v1 =	vmax.f32 v1, $0.0e+00;
	v2 =	vtrunc.f32 v2  }
0x3f: {  	v0 =	vtrunc.f32 v0;
	v7 =	vmin.f32 v7, $1.500000000e+01;
	v9 =	vsub.f32 $7.500000000e+00, v9  }
0x40: {  	[tilespmem:s21+$0x8040] =	vst v8;
	v3 =	vmin.f32 v3, $1.500000000e+01;
	v1 =	vmin.f32 v1, $1.500000000e+01;
	v5 =	vmax.f32 v5, $0.0e+00  }
0x41: {  	v2 =	vsub.f32 $7.500000000e+00, v2;
	v7 =	vtrunc.f32 v7;
	[tilespmem:s21+$0x8000] =	vst v4;
	v5 =	vmin.f32 v5, $1.500000000e+01  }
0x42: {  	v0 =	vsub.f32 $7.500000000e+00, v0;
	v3 =	vtrunc.f32 v3;
	[tilespmem:s20+$0x8060] =	vst v9;
	v5 =	vtrunc.f32 v5  }
0x43: {  	v6 =	vmax.f32 v6, $0.0e+00;
	v3 =	vsub.f32 $7.500000000e+00, v3;
	[tilespmem:s20+$0x8010] =	vst v2;
	v5 =	vcvt.f32.s32 v5  }
0x44: {  	v1 =	vtrunc.f32 v1;
	v7 =	vsub.f32 $7.500000000e+00, v7;
	v4 =	vmin.f32 v6, $1.500000000e+01;
	[tilespmem:s20+$0x8040] =	vst v0  }
0x45: {  	v1 =	vsub.f32 $7.500000000e+00, v1;
	v4 =	vtrunc.f32 v4;
	[tilespmem:s20+$0x8070] =	vst v3;
	v3 =	vcvt.s32.f32 v5  }
0x46: {  	[tilespmem:s20+$0x8020] =	vst v7;
	v4 =	vsub.f32 $7.500000000e+00, v4  }
0x47: {  	[tilespmem:s20+$0x8050] =	vst v1;
	v1 =	vsub.f32 $7.500000000e+00, v3  }
0x48: {  	[tilespmem:s20+$0x8030] =	vst v4  }
0x49: {  	s31 =	simm.s32 $0x0;
	[tilespmem:s20+$0x8000] =	vst v1  }
0x4a: {  	[hbm4b:s5+s31] =	stream.linear.scatter [tilespmem:s14], [sflag:$0x3], $0x4000, $0x38;
	[tilespmem:$0x10000] =	vst v63  }
0x4b: {  	_ = 	snop  }
0x4c: {  	[tilespmem:s31], [sflag:$0x1] =	stream.linear.gather [hbm4b:s6+s31], $0x4000, $0x38;
	[tilespmem:$0x10000] =	vst v63  }
0x4d: {  	_ =	swait.ge [sflag:s15], $0x4000  }
0x4e: {  	[sflag:s15] =	ssyncset.done $0x0  }
0x4f: {  	s21 =	simm.s32 $0x0;
	[sflag:s15] =	ssyncadd.s32 $0xFFFFC000  }
0x50: {  	v0 =	vld [tilespmem:s21+$0x4060]  }
0x51: {  	v1 =	vld [tilespmem:s21+$0x4070]  }
0x52: {  	v2 =	vld [tilespmem:s21+$0x4010]  }
0x53: {  	v4 =	vld [tilespmem:s21+$0x4040]  }
0x54: {  	v5 =	vld [tilespmem:s21+$0x4020]  }
0x55: {  	v3 =	vld [tilespmem:s21+$0x4050]  }
0x56: {  	s20 =	simm.s32 $0x80;
	v6 =	vld [tilespmem:s21+$0x4000]  }
0x57: {  	v9 =	vld [tilespmem:s20+$0x4070];
	v1 =	vsub.f32 $8.000000000e+00, v1  }
0x58: {  	v7 =	vld [tilespmem:s21+$0x4030];
	v2 =	vsub.f32 $8.000000000e+00, v2;
	v0 =	vsub.f32 $8.000000000e+00, v0  }
0x59: {  	v4 =	vsub.f32 $8.000000000e+00, v4;
	v5 =	vsub.f32 $8.000000000e+00, v5  }
0x5a: {  	v3 =	vsub.f32 $8.000000000e+00, v3;
	v2 =	vmax.f32 v2, $0.0e+00;
	v0 =	vmax.f32 v0, $0.0e+00  }
0x5b: {  	v4 =	vmax.f32 v4, $0.0e+00;
	v5 =	vmax.f32 v5, $0.0e+00;
	v1 =	vmax.f32 v1, $0.0e+00  }
0x5c: {  	v13 =	vmax.f32 v3, $0.0e+00;
	v3 =	vsub.f32 $8.000000000e+00, v9;
	v0 =	vmin.f32 v0, $1.500000000e+01  }
0x5d: {  	v8 =	vmin.f32 v4, $1.500000000e+01;
	v4 =	vsub.f32 $8.000000000e+00, v6;
	v6 =	vsub.f32 $8.000000000e+00, v7;
	v7 =	vld [tilespmem:s20+$0x4060]  }
0x5e: {  	v12 =	vld [tilespmem:s20+$0x4040];
	v2 =	vmin.f32 v2, $1.500000000e+01;
	v5 =	vmin.f32 v5, $1.500000000e+01;
	v1 =	vmin.f32 v1, $1.500000000e+01  }
0x5f: {  	v11 =	vld [tilespmem:s20+$0x4050];
	v0 =	vtrunc.f32 v0;
	v5 =	vtrunc.f32 v5;
	v6 =	vmax.f32 v6, $0.0e+00  }
0x60: {  	v1 =	vtrunc.f32 v1;
	v5 =	vsub.f32 $7.500000000e+00, v5;
	v6 =	vmin.f32 v6, $1.500000000e+01  }
0x61: {  	v10 =	vld [tilespmem:s20+$0x4010];
	v9 =	vmin.f32 v13, $1.500000000e+01;
	v2 =	vtrunc.f32 v2;
	v6 =	vtrunc.f32 v6  }
0x62: {  	v4 =	vmax.f32 v4, $0.0e+00;
	[tilespmem:s21+$0xC020] =	vst v5;
	v6 =	vsub.f32 $7.500000000e+00, v6;
	v5 =	vsub.f32 $8.000000000e+00, v7  }
0x63: {  	v15 =	vld [tilespmem:s20+$0x4020];
	v0 =	vsub.f32 $7.500000000e+00, v0;
	v7 =	vtrunc.f32 v9;
	v9 =	vsub.f32 $8.000000000e+00, v12  }
0x64: {  	v14 =	vsub.f32 $7.500000000e+00, v1;
	v1 =	vsub.f32 $8.000000000e+00, v11;
	[tilespmem:s21+$0xC030] =	vst v6;
	v6 =	vmax.f32 v5, $0.0e+00;
	v5 =	vld [tilespmem:s20+$0x4000]  }
0x65: {  	v4 =	vmin.f32 v4, $1.500000000e+01;
	v12 =	vmax.f32 v9, $0.0e+00;
	v9 =	vmin.f32 v6, $1.500000000e+01;
	v6 =	vld [tilespmem:s20+$0x4030]  }
0x66: {  	v11 =	vsub.f32 $7.500000000e+00, v2;
	v4 =	vtrunc.f32 v4;
	[tilespmem:s21+$0xC060] =	vst v0;
	v0 =	vsub.f32 $8.000000000e+00, v10  }
0x67: {  	v8 =	vtrunc.f32 v8;
	[tilespmem:s21+$0xC070] =	vst v14;
	v4 =	vcvt.f32.s32 v4;
	v10 =	vsub.f32 $7.500000000e+00, v7  }
0x68: {  	v8 =	vsub.f32 $7.500000000e+00, v8;
	[tilespmem:s21+$0xC010] =	vst v11;
	v0 =	vmax.f32 v0, $0.0e+00;
	v7 =	vsub.f32 $8.000000000e+00, v15  }
0x69: {  	s22 =	simm.s32 $0x400;
	v4 =	vcvt.s32.f32 v4;
	v2 =	vmin.f32 v0, $1.500000000e+01;
	[tilespmem:s21+$0xC050] =	vst v10;
	v0 =	vmin.f32 v12, $1.500000000e+01  }
.LBB2_4:
0x6a: {  	s23 =	sshra.s32 s22, $0x2;
	p0 =	sne.s32 s22, $0xFE00;
	s22 =	sadd.s32 $0x200, s22;
	v5 =	vsub.f32 $8.000000000e+00, v5;
	v6 =	vsub.f32 $8.000000000e+00, v6;
	v9 =	vtrunc.f32 v9  }
0x6b: {  	v7 =	vmax.f32 v7, $0.0e+00;
	v3 =	vmax.f32 v3, $0.0e+00;
	v4 =	vsub.f32 $7.500000000e+00, v4;
	v10 =	vld [tilespmem:s23+$0x4060];
	[tilespmem:s21+$0xC040] =	vst v8  }
0x6c: {  	v7 =	vmin.f32 v7, $1.500000000e+01;
	v9 =	vsub.f32 $7.500000000e+00, v9;
	v8 =	vld [tilespmem:s23+$0x4070];
	v5 =	vmax.f32 v5, $0.0e+00  }
0x6d: {  	v7 =	vtrunc.f32 v7;
	v6 =	vmax.f32 v6, $0.0e+00;
	v11 =	vld [tilespmem:s23+$0x4010];
	v5 =	vmin.f32 v5, $1.500000000e+01;
	[tilespmem:s21+$0xC000] =	vst v4;
	s21 =	smov.u32 s20;
	s20 =	smov.u32 s23  }
0x6e: {  	v3 =	vmin.f32 v3, $1.500000000e+01;
	v7 =	vsub.f32 $7.500000000e+00, v7;
	v12 =	vld [tilespmem:s20+$0x4050];
	v4 =	vtrunc.f32 v5;
	[tilespmem:s21+$0xC060] =	vst v9  }
0x6f: {  	v3 =	vtrunc.f32 v3;
	v6 =	vmin.f32 v6, $1.500000000e+01;
	v9 =	vld [tilespmem:s20+$0x4040];
	v4 =	vcvt.f32.s32 v4  }
0x70: {  	v1 =	vmax.f32 v1, $0.0e+00;
	v6 =	vtrunc.f32 v6;
	v5 =	vld [tilespmem:s20+$0x4000];
	[tilespmem:s21+$0xC020] =	vst v7;
	v7 =	vsub.f32 $7.500000000e+00, v3  }
0x71: {  	v13 =	vld [tilespmem:s20+$0x4020];
	v3 =	vsub.f32 $8.000000000e+00, v8;
	v4 =	vcvt.s32.f32 v4;
	v8 =	vsub.f32 $7.500000000e+00, v6  }
0x72: {  	v2 =	vtrunc.f32 v2;
	v14 =	vmin.f32 v1, $1.500000000e+01;
	v11 =	vsub.f32 $8.000000000e+00, v11;
	v6 =	vld [tilespmem:s20+$0x4030];
	[tilespmem:s21+$0xC070] =	vst v7  }
.Ltmp1:
0x73: {  	v7 =	vsub.f32 $8.000000000e+00, v10;
	v1 =	vsub.f32 $8.000000000e+00, v12;
	[tilespmem:s21+$0xC030] =	vst v8;
	v8 =	vtrunc.f32 v14;
	(pc) =	sbr.rel @p0 .LBB2_4-.Ltmp1, $4  }
0x74: {  	v10 =	vmax.f32 v11, $0.0e+00;
	v9 =	vsub.f32 $8.000000000e+00, v9;
	v8 =	vsub.f32 $7.500000000e+00, v8  }
0x75: {  	v12 =	vsub.f32 $7.500000000e+00, v2;
	v14 =	vtrunc.f32 v0;
	v11 =	vmax.f32 v7, $0.0e+00  }
0x76: {  	v7 =	vsub.f32 $8.000000000e+00, v13;
	v0 =	vmax.f32 v9, $0.0e+00;
	v9 =	vmin.f32 v11, $1.500000000e+01;
	[tilespmem:s21+$0xC050] =	vst v8  }
0x77: {  	v2 =	vmin.f32 v10, $1.500000000e+01;
	v8 =	vsub.f32 $7.500000000e+00, v14;
	v0 =	vmin.f32 v0, $1.500000000e+01;
	[tilespmem:s21+$0xC010] =	vst v12  }
0x78: {  	v5 =	vsub.f32 $8.000000000e+00, v5;
	v6 =	vsub.f32 $8.000000000e+00, v6  }
0x79: {  	v9 =	vtrunc.f32 v9;
	v7 =	vmax.f32 v7, $0.0e+00;
	v3 =	vmax.f32 v3, $0.0e+00  }
0x7a: {  	v4 =	vsub.f32 $7.500000000e+00, v4;
	v1 =	vmax.f32 v1, $0.0e+00;
	v2 =	vtrunc.f32 v2  }
0x7b: {  	v0 =	vtrunc.f32 v0;
	v7 =	vmin.f32 v7, $1.500000000e+01;
	v9 =	vsub.f32 $7.500000000e+00, v9  }
0x7c: {  	[tilespmem:s21+$0xC040] =	vst v8;
	v3 =	vmin.f32 v3, $1.500000000e+01;
	v1 =	vmin.f32 v1, $1.500000000e+01;
	v5 =	vmax.f32 v5, $0.0e+00  }
0x7d: {  	v2 =	vsub.f32 $7.500000000e+00, v2;
	v7 =	vtrunc.f32 v7;
	[tilespmem:s21+$0xC000] =	vst v4;
	v5 =	vmin.f32 v5, $1.500000000e+01  }
0x7e: {  	v0 =	vsub.f32 $7.500000000e+00, v0;
	v3 =	vtrunc.f32 v3;
	[tilespmem:s20+$0xC060] =	vst v9;
	v5 =	vtrunc.f32 v5  }
0x7f: {  	v6 =	vmax.f32 v6, $0.0e+00;
	v3 =	vsub.f32 $7.500000000e+00, v3;
	[tilespmem:s20+$0xC010] =	vst v2;
	v5 =	vcvt.f32.s32 v5  }
0x80: {  	v1 =	vtrunc.f32 v1;
	v7 =	vsub.f32 $7.500000000e+00, v7;
	v4 =	vmin.f32 v6, $1.500000000e+01;
	[tilespmem:s20+$0xC040] =	vst v0  }
0x81: {  	v1 =	vsub.f32 $7.500000000e+00, v1;
	v4 =	vtrunc.f32 v4;
	[tilespmem:s20+$0xC070] =	vst v3;
	v3 =	vcvt.s32.f32 v5  }
0x82: {  	[tilespmem:s20+$0xC020] =	vst v7;
	v4 =	vsub.f32 $7.500000000e+00, v4  }
0x83: {  	[tilespmem:s20+$0xC050] =	vst v1;
	v1 =	vsub.f32 $7.500000000e+00, v3  }
0x84: {  	[tilespmem:s20+$0xC030] =	vst v4  }
0x85: {  	s31 =	simm.s32 $0x0;
	[tilespmem:s20+$0xC000] =	vst v1  }
0x86: {  	[hbm4b:s7+s31] =	stream.linear.scatter [tilespmem:s16], [sflag:$0x4], $0x4000, $0x38;
	[tilespmem:$0x10000] =	vst v63  }
0x87: {  	_ = 	snop  }
0x88: {  	[tilespmem:s12], [sflag:$0x2] =	stream.linear.gather [hbm4b:s8+s31], $0x4000, $0x38;
	[tilespmem:$0x10000] =	vst v63  }
0x89: {  	_ =	swait.ge [sflag:s13], $0x4000  }
0x8a: {  	[sflag:s13] =	ssyncset.done $0x0  }
0x8b: {  	[sflag:s13] =	ssyncadd.s32 $0xFFFFC000  }
0x8c: {  	_ =	swait.ge [sflag:s17], $0x4000  }
0x8d: {  	[sflag:s17] =	ssyncset.done $0x0  }
0x8e: {  	s21 =	simm.s32 $0x0;
	[sflag:s17] =	ssyncadd.s32 $0xFFFFC000  }
0x8f: {  	v0 =	vld [tilespmem:s21+$0x60]  }
0x90: {  	v1 =	vld [tilespmem:s21+$0x70]  }
0x91: {  	v2 =	vld [tilespmem:s21+$0x10]  }
0x92: {  	v4 =	vld [tilespmem:s21+$0x40]  }
0x93: {  	v5 =	vld [tilespmem:s21+$0x20]  }
0x94: {  	v3 =	vld [tilespmem:s21+$0x50]  }
0x95: {  	s20 =	simm.s32 $0x80;
	v6 =	vld [tilespmem:s21+$0x0]  }
0x96: {  	v9 =	vld [tilespmem:s20+$0x70];
	v1 =	vsub.f32 $8.000000000e+00, v1  }
0x97: {  	v7 =	vld [tilespmem:s21+$0x30];
	v2 =	vsub.f32 $8.000000000e+00, v2;
	v0 =	vsub.f32 $8.000000000e+00, v0  }
0x98: {  	v4 =	vsub.f32 $8.000000000e+00, v4;
	v5 =	vsub.f32 $8.000000000e+00, v5  }
0x99: {  	v3 =	vsub.f32 $8.000000000e+00, v3;
	v2 =	vmax.f32 v2, $0.0e+00;
	v0 =	vmax.f32 v0, $0.0e+00  }
0x9a: {  	v4 =	vmax.f32 v4, $0.0e+00;
	v5 =	vmax.f32 v5, $0.0e+00;
	v1 =	vmax.f32 v1, $0.0e+00  }
0x9b: {  	v13 =	vmax.f32 v3, $0.0e+00;
	v3 =	vsub.f32 $8.000000000e+00, v9;
	v0 =	vmin.f32 v0, $1.500000000e+01  }
0x9c: {  	v8 =	vmin.f32 v4, $1.500000000e+01;
	v4 =	vsub.f32 $8.000000000e+00, v6;
	v6 =	vsub.f32 $8.000000000e+00, v7;
	v7 =	vld [tilespmem:s20+$0x60]  }
0x9d: {  	v12 =	vld [tilespmem:s20+$0x40];
	v2 =	vmin.f32 v2, $1.500000000e+01;
	v5 =	vmin.f32 v5, $1.500000000e+01;
	v1 =	vmin.f32 v1, $1.500000000e+01  }
0x9e: {  	v11 =	vld [tilespmem:s20+$0x50];
	v0 =	vtrunc.f32 v0;
	v5 =	vtrunc.f32 v5;
	v6 =	vmax.f32 v6, $0.0e+00  }
0x9f: {  	v1 =	vtrunc.f32 v1;
	v5 =	vsub.f32 $7.500000000e+00, v5;
	v6 =	vmin.f32 v6, $1.500000000e+01  }
0xa0: {  	v10 =	vld [tilespmem:s20+$0x10];
	v9 =	vmin.f32 v13, $1.500000000e+01;
	v2 =	vtrunc.f32 v2;
	v6 =	vtrunc.f32 v6  }
0xa1: {  	v4 =	vmax.f32 v4, $0.0e+00;
	[tilespmem:s21+$0x8020] =	vst v5;
	v6 =	vsub.f32 $7.500000000e+00, v6;
	v5 =	vsub.f32 $8.000000000e+00, v7  }
0xa2: {  	v15 =	vld [tilespmem:s20+$0x20];
	v0 =	vsub.f32 $7.500000000e+00, v0;
	v7 =	vtrunc.f32 v9;
	v9 =	vsub.f32 $8.000000000e+00, v12  }
0xa3: {  	v14 =	vsub.f32 $7.500000000e+00, v1;
	v1 =	vsub.f32 $8.000000000e+00, v11;
	[tilespmem:s21+$0x8030] =	vst v6;
	v6 =	vmax.f32 v5, $0.0e+00;
	v5 =	vld [tilespmem:s20+$0x0]  }
0xa4: {  	v4 =	vmin.f32 v4, $1.500000000e+01;
	v12 =	vmax.f32 v9, $0.0e+00;
	v9 =	vmin.f32 v6, $1.500000000e+01;
	v6 =	vld [tilespmem:s20+$0x30]  }
0xa5: {  	v11 =	vsub.f32 $7.500000000e+00, v2;
	v4 =	vtrunc.f32 v4;
	[tilespmem:s21+$0x8060] =	vst v0;
	v0 =	vsub.f32 $8.000000000e+00, v10  }
0xa6: {  	v8 =	vtrunc.f32 v8;
	[tilespmem:s21+$0x8070] =	vst v14;
	v4 =	vcvt.f32.s32 v4;
	v10 =	vsub.f32 $7.500000000e+00, v7  }
0xa7: {  	v8 =	vsub.f32 $7.500000000e+00, v8;
	[tilespmem:s21+$0x8010] =	vst v11;
	v0 =	vmax.f32 v0, $0.0e+00;
	v7 =	vsub.f32 $8.000000000e+00, v15  }
0xa8: {  	s22 =	simm.s32 $0x400;
	v4 =	vcvt.s32.f32 v4;
	v2 =	vmin.f32 v0, $1.500000000e+01;
	[tilespmem:s21+$0x8050] =	vst v10;
	v0 =	vmin.f32 v12, $1.500000000e+01  }
.LBB2_6:
0xa9: {  	s23 =	sshra.s32 s22, $0x2;
	p0 =	sne.s32 s22, $0xFE00;
	s22 =	sadd.s32 $0x200, s22;
	v5 =	vsub.f32 $8.000000000e+00, v5;
	v6 =	vsub.f32 $8.000000000e+00, v6;
	v9 =	vtrunc.f32 v9  }
0xaa: {  	v7 =	vmax.f32 v7, $0.0e+00;
	v3 =	vmax.f32 v3, $0.0e+00;
	v4 =	vsub.f32 $7.500000000e+00, v4;
	v10 =	vld [tilespmem:s23+$0x60];
	[tilespmem:s21+$0x8040] =	vst v8  }
0xab: {  	v7 =	vmin.f32 v7, $1.500000000e+01;
	v9 =	vsub.f32 $7.500000000e+00, v9;
	v8 =	vld [tilespmem:s23+$0x70];
	v5 =	vmax.f32 v5, $0.0e+00  }
0xac: {  	v7 =	vtrunc.f32 v7;
	v6 =	vmax.f32 v6, $0.0e+00;
	v11 =	vld [tilespmem:s23+$0x10];
	v5 =	vmin.f32 v5, $1.500000000e+01;
	[tilespmem:s21+$0x8000] =	vst v4;
	s21 =	smov.u32 s20;
	s20 =	smov.u32 s23  }
0xad: {  	v3 =	vmin.f32 v3, $1.500000000e+01;
	v7 =	vsub.f32 $7.500000000e+00, v7;
	v12 =	vld [tilespmem:s20+$0x50];
	v4 =	vtrunc.f32 v5;
	[tilespmem:s21+$0x8060] =	vst v9  }
0xae: {  	v3 =	vtrunc.f32 v3;
	v6 =	vmin.f32 v6, $1.500000000e+01;
	v9 =	vld [tilespmem:s20+$0x40];
	v4 =	vcvt.f32.s32 v4  }
0xaf: {  	v1 =	vmax.f32 v1, $0.0e+00;
	v6 =	vtrunc.f32 v6;
	v5 =	vld [tilespmem:s20+$0x0];
	[tilespmem:s21+$0x8020] =	vst v7;
	v7 =	vsub.f32 $7.500000000e+00, v3  }
0xb0: {  	v13 =	vld [tilespmem:s20+$0x20];
	v3 =	vsub.f32 $8.000000000e+00, v8;
	v4 =	vcvt.s32.f32 v4;
	v8 =	vsub.f32 $7.500000000e+00, v6  }
0xb1: {  	v2 =	vtrunc.f32 v2;
	v14 =	vmin.f32 v1, $1.500000000e+01;
	v11 =	vsub.f32 $8.000000000e+00, v11;
	v6 =	vld [tilespmem:s20+$0x30];
	[tilespmem:s21+$0x8070] =	vst v7  }
.Ltmp2:
0xb2: {  	v7 =	vsub.f32 $8.000000000e+00, v10;
	v1 =	vsub.f32 $8.000000000e+00, v12;
	[tilespmem:s21+$0x8030] =	vst v8;
	v8 =	vtrunc.f32 v14;
	(pc) =	sbr.rel @p0 .LBB2_6-.Ltmp2, $4  }
0xb3: {  	v10 =	vmax.f32 v11, $0.0e+00;
	v9 =	vsub.f32 $8.000000000e+00, v9;
	v8 =	vsub.f32 $7.500000000e+00, v8  }
0xb4: {  	v12 =	vsub.f32 $7.500000000e+00, v2;
	v14 =	vtrunc.f32 v0;
	v11 =	vmax.f32 v7, $0.0e+00  }
0xb5: {  	v7 =	vsub.f32 $8.000000000e+00, v13;
	v0 =	vmax.f32 v9, $0.0e+00;
	v9 =	vmin.f32 v11, $1.500000000e+01;
	[tilespmem:s21+$0x8050] =	vst v8  }
0xb6: {  	v2 =	vmin.f32 v10, $1.500000000e+01;
	v8 =	vsub.f32 $7.500000000e+00, v14;
	v0 =	vmin.f32 v0, $1.500000000e+01;
	[tilespmem:s21+$0x8010] =	vst v12  }
0xb7: {  	v5 =	vsub.f32 $8.000000000e+00, v5;
	v6 =	vsub.f32 $8.000000000e+00, v6  }
0xb8: {  	v9 =	vtrunc.f32 v9;
	v7 =	vmax.f32 v7, $0.0e+00;
	v3 =	vmax.f32 v3, $0.0e+00  }
0xb9: {  	v4 =	vsub.f32 $7.500000000e+00, v4;
	v1 =	vmax.f32 v1, $0.0e+00;
	v2 =	vtrunc.f32 v2  }
0xba: {  	v0 =	vtrunc.f32 v0;
	v7 =	vmin.f32 v7, $1.500000000e+01;
	v9 =	vsub.f32 $7.500000000e+00, v9  }
0xbb: {  	[tilespmem:s21+$0x8040] =	vst v8;
	v3 =	vmin.f32 v3, $1.500000000e+01;
	v1 =	vmin.f32 v1, $1.500000000e+01;
	v5 =	vmax.f32 v5, $0.0e+00  }
0xbc: {  	v2 =	vsub.f32 $7.500000000e+00, v2;
	v7 =	vtrunc.f32 v7;
	[tilespmem:s21+$0x8000] =	vst v4;
	v5 =	vmin.f32 v5, $1.500000000e+01  }
0xbd: {  	v0 =	vsub.f32 $7.500000000e+00, v0;
	v3 =	vtrunc.f32 v3;
	[tilespmem:s20+$0x8060] =	vst v9;
	v5 =	vtrunc.f32 v5  }
0xbe: {  	v6 =	vmax.f32 v6, $0.0e+00;
	v3 =	vsub.f32 $7.500000000e+00, v3;
	[tilespmem:s20+$0x8010] =	vst v2;
	v5 =	vcvt.f32.s32 v5  }
0xbf: {  	v1 =	vtrunc.f32 v1;
	v7 =	vsub.f32 $7.500000000e+00, v7;
	v4 =	vmin.f32 v6, $1.500000000e+01;
	[tilespmem:s20+$0x8040] =	vst v0  }
0xc0: {  	v1 =	vsub.f32 $7.500000000e+00, v1;
	v4 =	vtrunc.f32 v4;
	[tilespmem:s20+$0x8070] =	vst v3;
	v3 =	vcvt.s32.f32 v5  }
0xc1: {  	[tilespmem:s20+$0x8020] =	vst v7;
	v4 =	vsub.f32 $7.500000000e+00, v4  }
0xc2: {  	[tilespmem:s20+$0x8050] =	vst v1;
	v1 =	vsub.f32 $7.500000000e+00, v3  }
0xc3: {  	[tilespmem:s20+$0x8030] =	vst v4  }
0xc4: {  	s31 =	simm.s32 $0x0;
	[tilespmem:s20+$0x8000] =	vst v1  }
0xc5: {  	[hbm4b:s9+s31] =	stream.linear.scatter [tilespmem:s14], [sflag:$0x3], $0x4000, $0x38;
	[tilespmem:$0x10000] =	vst v63  }
0xc6: {  	_ =	swait.ge [sflag:s15], $0x4000  }
0xc7: {  	[sflag:s15] =	ssyncset.done $0x0  }
0xc8: {  	[sflag:s15] =	ssyncadd.s32 $0xFFFFC000  }
0xc9: {  	_ =	swait.ge [sflag:s18], $0x4000  }
0xca: {  	[sflag:s18] =	ssyncset.done $0x0  }
0xcb: {  	s21 =	simm.s32 $0x0;
	[sflag:s18] =	ssyncadd.s32 $0xFFFFC000  }
0xcc: {  	v0 =	vld [tilespmem:s21+$0x4060]  }
0xcd: {  	v1 =	vld [tilespmem:s21+$0x4070]  }
0xce: {  	v2 =	vld [tilespmem:s21+$0x4010]  }
0xcf: {  	v4 =	vld [tilespmem:s21+$0x4040]  }
0xd0: {  	v5 =	vld [tilespmem:s21+$0x4020]  }
0xd1: {  	v3 =	vld [tilespmem:s21+$0x4050]  }
0xd2: {  	s20 =	simm.s32 $0x80;
	v6 =	vld [tilespmem:s21+$0x4000]  }
0xd3: {  	v9 =	vld [tilespmem:s20+$0x4070];
	v1 =	vsub.f32 $8.000000000e+00, v1  }
0xd4: {  	v7 =	vld [tilespmem:s21+$0x4030];
	v2 =	vsub.f32 $8.000000000e+00, v2;
	v0 =	vsub.f32 $8.000000000e+00, v0  }
0xd5: {  	v4 =	vsub.f32 $8.000000000e+00, v4;
	v5 =	vsub.f32 $8.000000000e+00, v5  }
0xd6: {  	v3 =	vsub.f32 $8.000000000e+00, v3;
	v2 =	vmax.f32 v2, $0.0e+00;
	v0 =	vmax.f32 v0, $0.0e+00  }
0xd7: {  	v4 =	vmax.f32 v4, $0.0e+00;
	v5 =	vmax.f32 v5, $0.0e+00;
	v1 =	vmax.f32 v1, $0.0e+00  }
0xd8: {  	v13 =	vmax.f32 v3, $0.0e+00;
	v3 =	vsub.f32 $8.000000000e+00, v9;
	v0 =	vmin.f32 v0, $1.500000000e+01  }
0xd9: {  	v8 =	vmin.f32 v4, $1.500000000e+01;
	v4 =	vsub.f32 $8.000000000e+00, v6;
	v6 =	vsub.f32 $8.000000000e+00, v7;
	v7 =	vld [tilespmem:s20+$0x4060]  }
0xda: {  	v12 =	vld [tilespmem:s20+$0x4040];
	v2 =	vmin.f32 v2, $1.500000000e+01;
	v5 =	vmin.f32 v5, $1.500000000e+01;
	v1 =	vmin.f32 v1, $1.500000000e+01  }
0xdb: {  	v11 =	vld [tilespmem:s20+$0x4050];
	v0 =	vtrunc.f32 v0;
	v5 =	vtrunc.f32 v5;
	v6 =	vmax.f32 v6, $0.0e+00  }
0xdc: {  	v1 =	vtrunc.f32 v1;
	v5 =	vsub.f32 $7.500000000e+00, v5;
	v6 =	vmin.f32 v6, $1.500000000e+01  }
0xdd: {  	v10 =	vld [tilespmem:s20+$0x4010];
	v9 =	vmin.f32 v13, $1.500000000e+01;
	v2 =	vtrunc.f32 v2;
	v6 =	vtrunc.f32 v6  }
0xde: {  	v4 =	vmax.f32 v4, $0.0e+00;
	[tilespmem:s21+$0xC020] =	vst v5;
	v6 =	vsub.f32 $7.500000000e+00, v6;
	v5 =	vsub.f32 $8.000000000e+00, v7  }
0xdf: {  	v15 =	vld [tilespmem:s20+$0x4020];
	v0 =	vsub.f32 $7.500000000e+00, v0;
	v7 =	vtrunc.f32 v9;
	v9 =	vsub.f32 $8.000000000e+00, v12  }
0xe0: {  	v14 =	vsub.f32 $7.500000000e+00, v1;
	v1 =	vsub.f32 $8.000000000e+00, v11;
	[tilespmem:s21+$0xC030] =	vst v6;
	v6 =	vmax.f32 v5, $0.0e+00;
	v5 =	vld [tilespmem:s20+$0x4000]  }
0xe1: {  	v4 =	vmin.f32 v4, $1.500000000e+01;
	v12 =	vmax.f32 v9, $0.0e+00;
	v9 =	vmin.f32 v6, $1.500000000e+01;
	v6 =	vld [tilespmem:s20+$0x4030]  }
0xe2: {  	v11 =	vsub.f32 $7.500000000e+00, v2;
	v4 =	vtrunc.f32 v4;
	[tilespmem:s21+$0xC060] =	vst v0;
	v0 =	vsub.f32 $8.000000000e+00, v10  }
0xe3: {  	v8 =	vtrunc.f32 v8;
	[tilespmem:s21+$0xC070] =	vst v14;
	v4 =	vcvt.f32.s32 v4;
	v10 =	vsub.f32 $7.500000000e+00, v7  }
0xe4: {  	v8 =	vsub.f32 $7.500000000e+00, v8;
	[tilespmem:s21+$0xC010] =	vst v11;
	v0 =	vmax.f32 v0, $0.0e+00;
	v7 =	vsub.f32 $8.000000000e+00, v15  }
0xe5: {  	s22 =	simm.s32 $0x400;
	v4 =	vcvt.s32.f32 v4;
	v2 =	vmin.f32 v0, $1.500000000e+01;
	[tilespmem:s21+$0xC050] =	vst v10;
	v0 =	vmin.f32 v12, $1.500000000e+01  }
.LBB2_8:
0xe6: {  	s23 =	sshra.s32 s22, $0x2;
	p0 =	sne.s32 s22, $0xFE00;
	s22 =	sadd.s32 $0x200, s22;
	v5 =	vsub.f32 $8.000000000e+00, v5;
	v6 =	vsub.f32 $8.000000000e+00, v6;
	v9 =	vtrunc.f32 v9  }
0xe7: {  	v7 =	vmax.f32 v7, $0.0e+00;
	v3 =	vmax.f32 v3, $0.0e+00;
	v4 =	vsub.f32 $7.500000000e+00, v4;
	v10 =	vld [tilespmem:s23+$0x4060];
	[tilespmem:s21+$0xC040] =	vst v8  }
0xe8: {  	v7 =	vmin.f32 v7, $1.500000000e+01;
	v9 =	vsub.f32 $7.500000000e+00, v9;
	v8 =	vld [tilespmem:s23+$0x4070];
	v5 =	vmax.f32 v5, $0.0e+00  }
0xe9: {  	v7 =	vtrunc.f32 v7;
	v6 =	vmax.f32 v6, $0.0e+00;
	v11 =	vld [tilespmem:s23+$0x4010];
	v5 =	vmin.f32 v5, $1.500000000e+01;
	[tilespmem:s21+$0xC000] =	vst v4;
	s21 =	smov.u32 s20;
	s20 =	smov.u32 s23  }
0xea: {  	v3 =	vmin.f32 v3, $1.500000000e+01;
	v7 =	vsub.f32 $7.500000000e+00, v7;
	v12 =	vld [tilespmem:s20+$0x4050];
	v4 =	vtrunc.f32 v5;
	[tilespmem:s21+$0xC060] =	vst v9  }
0xeb: {  	v3 =	vtrunc.f32 v3;
	v6 =	vmin.f32 v6, $1.500000000e+01;
	v9 =	vld [tilespmem:s20+$0x4040];
	v4 =	vcvt.f32.s32 v4  }
0xec: {  	v1 =	vmax.f32 v1, $0.0e+00;
	v6 =	vtrunc.f32 v6;
	v5 =	vld [tilespmem:s20+$0x4000];
	[tilespmem:s21+$0xC020] =	vst v7;
	v7 =	vsub.f32 $7.500000000e+00, v3  }
0xed: {  	v13 =	vld [tilespmem:s20+$0x4020];
	v3 =	vsub.f32 $8.000000000e+00, v8;
	v4 =	vcvt.s32.f32 v4;
	v8 =	vsub.f32 $7.500000000e+00, v6  }
0xee: {  	v2 =	vtrunc.f32 v2;
	v14 =	vmin.f32 v1, $1.500000000e+01;
	v11 =	vsub.f32 $8.000000000e+00, v11;
	v6 =	vld [tilespmem:s20+$0x4030];
	[tilespmem:s21+$0xC070] =	vst v7  }
.Ltmp3:
0xef: {  	v7 =	vsub.f32 $8.000000000e+00, v10;
	v1 =	vsub.f32 $8.000000000e+00, v12;
	[tilespmem:s21+$0xC030] =	vst v8;
	v8 =	vtrunc.f32 v14;
	(pc) =	sbr.rel @p0 .LBB2_8-.Ltmp3, $4  }
0xf0: {  	v10 =	vmax.f32 v11, $0.0e+00;
	v9 =	vsub.f32 $8.000000000e+00, v9;
	v8 =	vsub.f32 $7.500000000e+00, v8  }
0xf1: {  	v12 =	vsub.f32 $7.500000000e+00, v2;
	v14 =	vtrunc.f32 v0;
	v11 =	vmax.f32 v7, $0.0e+00  }
0xf2: {  	v7 =	vsub.f32 $8.000000000e+00, v13;
	v0 =	vmax.f32 v9, $0.0e+00;
	v9 =	vmin.f32 v11, $1.500000000e+01;
	[tilespmem:s21+$0xC050] =	vst v8  }
0xf3: {  	v2 =	vmin.f32 v10, $1.500000000e+01;
	v8 =	vsub.f32 $7.500000000e+00, v14;
	v0 =	vmin.f32 v0, $1.500000000e+01;
	[tilespmem:s21+$0xC010] =	vst v12  }
0xf4: {  	v5 =	vsub.f32 $8.000000000e+00, v5;
	v6 =	vsub.f32 $8.000000000e+00, v6  }
0xf5: {  	v9 =	vtrunc.f32 v9;
	v7 =	vmax.f32 v7, $0.0e+00;
	v3 =	vmax.f32 v3, $0.0e+00  }
0xf6: {  	v4 =	vsub.f32 $7.500000000e+00, v4;
	v1 =	vmax.f32 v1, $0.0e+00;
	v2 =	vtrunc.f32 v2  }
0xf7: {  	v0 =	vtrunc.f32 v0;
	v7 =	vmin.f32 v7, $1.500000000e+01;
	v9 =	vsub.f32 $7.500000000e+00, v9  }
0xf8: {  	[tilespmem:s21+$0xC040] =	vst v8;
	v3 =	vmin.f32 v3, $1.500000000e+01;
	v1 =	vmin.f32 v1, $1.500000000e+01;
	v5 =	vmax.f32 v5, $0.0e+00  }
0xf9: {  	v2 =	vsub.f32 $7.500000000e+00, v2;
	v0 =	vsub.f32 $7.500000000e+00, v0;
	[tilespmem:s21+$0xC000] =	vst v4;
	v5 =	vmin.f32 v5, $1.500000000e+01  }
0xfa: {  	v7 =	vtrunc.f32 v7;
	v6 =	vmax.f32 v6, $0.0e+00;
	[tilespmem:s20+$0xC060] =	vst v9;
	v5 =	vtrunc.f32 v5  }
0xfb: {  	v3 =	vtrunc.f32 v3;
	v7 =	vsub.f32 $7.500000000e+00, v7;
	[tilespmem:s20+$0xC010] =	vst v2;
	v5 =	vcvt.f32.s32 v5  }
0xfc: {  	v1 =	vtrunc.f32 v1;
	v61 =	vmin.f32 v6, $1.500000000e+01;
	v3 =	vsub.f32 $7.500000000e+00, v3;
	[tilespmem:s20+$0xC040] =	vst v0  }
0xfd: {  	v1 =	vsub.f32 $7.500000000e+00, v1;
	v4 =	vtrunc.f32 v61;
	[tilespmem:s20+$0xC020] =	vst v7;
	v62 =	vcvt.s32.f32 v5  }
0xfe: {  	v4 =	vsub.f32 $7.500000000e+00, v4;
	[tilespmem:s20+$0xC070] =	vst v3  }
0xff: {  	[tilespmem:s20+$0xC050] =	vst v1;
	v63 =	vsub.f32 $7.500000000e+00, v62  }
0x100: {  	[tilespmem:s20+$0xC030] =	vst v4  }
0x101: {  	s19 =	sadd.s32 $0x1, s19;
	[tilespmem:s20+$0xC000] =	vst v63  }
0x102: {  	[hbm4b:s10+s2] =	stream.linear.scatter [tilespmem:s16], [sflag:$0x4], $0x4000, $0x38;
	[tilespmem:$0x10000] =	vst v63  }
0x103: {  	p0 =	sne.s32 s19, s11;
	_ =	swait.ge [sflag:s17], $0x4000  }
.Ltmp4:
0x104: {  	[sflag:s17] =	ssyncset.done $0x0;
	(pc) =	sbr.rel @p0 .LBB2_1-.Ltmp4, $4  }
0x105: {  	[sflag:s17] =	ssyncadd.s32 $0xFFFFC000  }
0x106: {  	_ =	swait.ge [sflag:s18], $0x4000  }
0x107: {  	[sflag:s18] =	ssyncset.done $0x0  }
0x108: {  	[sflag:s18] =	ssyncadd.s32 $0xFFFFC000  }
0x109: {  	_ =	sfence.sel $0x180000  }
0x10a: {  	[bflag:$0x0] =	sbarrier.arrive $0xFFFF  }
0x10b: {  	p0 =	sne.s32 s1, $0x0;
	_ =	strace $0x90000047  }
0x10c: {  	s0 =	sadd.s32 @!p0 $0x100000, s0;
	[bflag:$0x2] =	sbarrier.arrive $0xFFFF  }
0x10d: {  	[sflag:s0] =	ssyncadd.tile.s32 @!p0 $0x1;
	_ =	shalt  }
.Lfunc_end2:
_tile_overlayer_lowered:
.L_overlay_start_2:
0x10e: {  	(tag) =	ssettag $0x2  }
0x10f: {  	s0 =	rddreg [dreg:$0x0];
	s2 =	stileid.u32  }
0x110: {  	s1 =	rddreg [dreg:$0x1];
	p0 =	sne.s32 s2, $0x0  }
0x111: {  	s3 =	rddreg [dreg:$0x2];
	[bflag:$0x3] =	sbarrier.arrive $0xFFFF;
	s2 =	simm.s32 @!p0 $0x1C05  }
0x112: {  	[timem:s3], [sflag:s2] =	dma.local @!p0 [hbm:s0], s1  }
0x113: {  	s0 =	simm.s32 @!p0 $0x5  }
0x114: {  	_ =	swait.ge @!p0 [sflag:s0], s1  }
0x115: {  	s1 =	ssub.s32 @!p0 $0x0, s1;
	[sflag:s0] =	ssyncset.done @!p0 $0x0  }
0x116: {  	[sflag:s0] =	ssyncadd.s32 @!p0 s1  }
0x117: {  	[bflag:$0x3] =	sbarrier.arrive $0xFFFF  }
0x118: {  	_ =	shalt  }

</sc_bundles>
